<compile_context>
chip_gen: v7x
topology: tpu7x:2x2x1
jax: 0.10.2.dev20260603
libtpu: 0.0.44.dev20260713+nightly
codegen_flags: <defaults>
</compile_context>

<pallas_src>
import functools

import jax
import jax.numpy as jnp
from jax import lax
from jax.experimental import pallas as pl
from jax.experimental.pallas import tpu as pltpu
from jax.experimental.pallas import tpu_sc as plsc

C = 21
S = 32
NBINS = S * S
L = 16
NC, NS = 2, 16
NW = NC * NS
N = 4 * 512 * 512
W = 512
ROWS = N // W
PER_W = N // NW
RPW = PER_W // W
NR = NBINS // L
CHUNK = 8192
CR = CHUNK // W
NCH = PER_W // CHUNK
CV = CHUNK // L

_mesh = plsc.VectorSubcoreMesh(core_axis_name="c", subcore_axis_name="s")


@functools.partial(
    pl.kernel,
    out_type=jax.ShapeDtypeStruct((NW, NR, L), jnp.float32),
    mesh=_mesh,
    compiler_params=pltpu.CompilerParams(
        needs_layout_passes=False, use_tc_tiling_on_sc=True),
    scratch_types=[
        pltpu.VMEM((2, CR, W), jnp.int32),
        pltpu.VMEM((2, CR, W), jnp.int32),
        pltpu.VMEM((L * NBINS,), jnp.float32),
        pltpu.VMEM((NR, L), jnp.float32),
        pltpu.SemaphoreType.DMA,
        pltpu.SemaphoreType.DMA,
    ],
)
def _cm_sc_kernel(yt_hbm, yp_hbm, out_hbm, yt_v, yp_v, acc, part, sem0, sem1):
    cid = lax.axis_index("c")
    sid = lax.axis_index("s")
    wid = sid * NC + cid
    base = wid * RPW
    sems = (sem0, sem1)

    def stage(c, slot):
        off = base + c * CR
        pltpu.make_async_copy(
            yt_hbm.at[pl.ds(off, CR)], yt_v.at[slot], sems[slot]).start()
        pltpu.make_async_copy(
            yp_hbm.at[pl.ds(off, CR)], yp_v.at[slot], sems[slot]).start()

    def drain(c, slot):
        off = base + c * CR
        pltpu.make_async_copy(
            yt_hbm.at[pl.ds(off, CR)], yt_v.at[slot], sems[slot]).wait()
        pltpu.make_async_copy(
            yp_hbm.at[pl.ds(off, CR)], yp_v.at[slot], sems[slot]).wait()

    stage(0, 0)

    zeros = jnp.zeros((L,), jnp.float32)
    iota = lax.iota(jnp.int32, L)

    @plsc.parallel_loop(0, NBINS, unroll=8)
    def _(j):
        acc[pl.ds(j * L, L)] = zeros

    lane_off = iota * NBINS
    ones = jnp.ones((L,), jnp.float32)

    for c in range(NCH):
        slot = c % 2
        if c + 1 < NCH:
            stage(c + 1, 1 - slot)
        drain(c, slot)

        @plsc.parallel_loop(0, CV, unroll=16)
        def _(i):
            r = lax.shift_right_logical(i, 5)
            cc = lax.shift_left(lax.bitwise_and(i, 31), 4)
            yt = yt_v[slot, r, pl.ds(cc, L)]
            yp = yp_v[slot, r, pl.ds(cc, L)]
            b = yt * S + yp + lane_off
            plsc.addupdate_scatter(acc, [b], ones)

    @plsc.parallel_loop(0, NR, unroll=2)
    def _(j):
        s = acc[pl.ds(j * L, L)]
        for l in range(1, L):
            s = s + acc[pl.ds(l * NBINS + j * L, L)]
        part[j] = s

    pltpu.sync_copy(part, out_hbm.at[wid])


def _combine_tc_kernel(parts_ref, cm_ref, out_ref):
    total = jnp.sum(parts_ref[...], axis=0)
    row = lax.broadcasted_iota(jnp.int32, (S, S), 0)
    total = jnp.where(row == 0, 0.0, total)
    out_ref[...] = total[:C, :C] + cm_ref[...]


_combine_tc = pl.pallas_call(
    _combine_tc_kernel,
    out_shape=jax.ShapeDtypeStruct((C, C), jnp.float32),
)


def kernel(y_true, y_pred, cm):
    yt = y_true.reshape(ROWS, W)
    yp = y_pred.reshape(ROWS, W)
    parts = _cm_sc_kernel(yt, yp)
    return _combine_tc(parts.reshape(NW, S, S), cm)

# --- scband reference (transcript-rebuilt; emitter-appended) ---
"""Pipeline reference for scband-torch-confusion-matrix-metric-36034775613922 (READ-ONLY COPY).

The authoritative reference and input builder live on the scoring server;
editing this copy changes nothing except your own understanding.
"""

import jax, jax.numpy as jnp
import numpy as np

NUM_CLASSES = 21


def setup_inputs(seed: int = 0) -> dict:
    key = jax.random.key(seed)
    k1, k2 = jax.random.split(key)
    y_true = jax.random.randint(k1, (4, 512, 512), 0, NUM_CLASSES, dtype=jnp.int32)
    y_pred = jax.random.randint(k2, (4, 512, 512), 0, NUM_CLASSES, dtype=jnp.int32)
    cm = jnp.zeros((NUM_CLASSES, NUM_CLASSES), dtype=jnp.float32)
    return {"y_true": y_true, "y_pred": y_pred, "cm": cm}


def reference(y_true, y_pred, cm):
    # Faithful translation of TorchConfusionMatrixMetric.forward.
    # Original: flatten, drop pixels where y_true == 0, one-hot both,
    # accumulate cm += y_true_onehot.T @ y_pred_onehot.
    # Dynamic boolean indexing is replaced by multiplying the true-label
    # one-hot rows by the mask (masked rows become all-zero and therefore
    # contribute nothing to the matmul) -- mathematically identical.
    yt = y_true.reshape(-1)
    yp = y_pred.reshape(-1)
    mask = (yt != 0).astype(jnp.float32)
    yt_oh = jax.nn.one_hot(yt, NUM_CLASSES, dtype=jnp.float32) * mask[:, None]
    yp_oh = jax.nn.one_hot(yp, NUM_CLASSES, dtype=jnp.float32)
    new_cm = cm + jnp.matmul(yt_oh.T, yp_oh)
    return new_cm

if __name__ == "__main__":
    import jax
    _d = setup_inputs()
    print(jax.jit(kernel)(*tuple(_d.values())))

</pallas_src>

<mosaic_0001>
#map = affine_map<(d0, d1) -> (0, 0)>
#map1 = affine_map<(d0, d1) -> (0, 0, 0)>
module attributes {stable_mosaic.version = 14 : i64} {
  func.func @_cm_sc_kernel(%arg0: i32, %arg1: i32, %arg2: memref<2048x512xi32, #tpu.memory_space<hbm>>, %arg3: memref<2048x512xi32, #tpu.memory_space<hbm>>, %arg4: memref<32x64x16xf32, #tpu.memory_space<hbm>>, %arg5: memref<2x16x512xi32, #tpu.memory_space<vmem>>, %arg6: memref<2x16x512xi32, #tpu.memory_space<vmem>>, %arg7: memref<16384xf32, #tpu.memory_space<vmem>>, %arg8: memref<64x16xf32, #tpu.memory_space<vmem>>, %arg9: memref<!tpu.dma_semaphore, #tpu.memory_space<semaphore_mem>>, %arg10: memref<!tpu.dma_semaphore, #tpu.memory_space<semaphore_mem>>) attributes {dimension_semantics = [#tpu.dimension_semantics<core_parallel>, #tpu.dimension_semantics<subcore_parallel>], iteration_bounds = array<i64: 2, 16>, scalar_prefetch = 0 : i64, scratch_operands = 6 : i64, tpu.core_type = #tpu.core_type<sc_vector_subcore>, window_params = [{transform_indices = #map}, {transform_indices = #map}, {transform_indices = #map1}]} {
    %mul3A = arith.constant 2 : i32
    %mul3A_0 = arith.muli %arg1, %mul3A : i32
    %add3A = arith.addi %mul3A_0, %arg0 : i32
    %mul3A_1 = arith.constant 64 : i32
    %mul3A_2 = arith.muli %add3A, %mul3A_1 : i32
    %add3A_3 = arith.constant 0 : i32
    %add3A_4 = arith.addi %mul3A_2, %add3A_3 : i32
    %dma_start3A = arith.constant 0 : i32
    %dma_start3A_5 = arith.constant 0 : i32
    %dma_start3A_6 = arith.constant 0 : i32
    %dma_start3A_7 = tpu.memref_slice %arg5[%dma_start3A, %dma_start3A_5, %dma_start3A_6] : memref<2x16x512xi32, #tpu.memory_space<vmem>> -> memref<1x16x512xi32, #tpu.memory_space<vmem>>
    %dma_start3A_8 = tpu.memref_squeeze %dma_start3A_7 : memref<1x16x512xi32, #tpu.memory_space<vmem>> -> memref<16x512xi32, #tpu.memory_space<vmem>>
    %dma_start3A_9 = arith.constant 0 : i32
    %dma_start3A_10 = tpu.memref_slice %arg2[%add3A_4, %dma_start3A_9] : memref<2048x512xi32, #tpu.memory_space<hbm>> -> memref<16x512xi32, #tpu.memory_space<hbm>>
    %dma_start3A_11 = arith.constant 0 : i32
    %dma_start3A_12 = arith.constant 0 : i32
    %dma_start3A_13 = tpu.memref_slice %arg5[%dma_start3A, %dma_start3A_11, %dma_start3A_12] : memref<2x16x512xi32, #tpu.memory_space<vmem>> -> memref<1x16x512xi32, #tpu.memory_space<vmem>>
    %dma_start3A_14 = tpu.memref_squeeze %dma_start3A_13 : memref<1x16x512xi32, #tpu.memory_space<vmem>> -> memref<16x512xi32, #tpu.memory_space<vmem>>
    %dma_start3A_15 = arith.constant 0 : i32
    %dma_start3A_16 = tpu.memref_slice %arg2[%add3A_4, %dma_start3A_15] : memref<2048x512xi32, #tpu.memory_space<hbm>> -> memref<16x512xi32, #tpu.memory_space<hbm>>
    tpu.enqueue_dma source(%dma_start3A_16 : memref<16x512xi32, #tpu.memory_space<hbm>>) target(%dma_start3A_14 : memref<16x512xi32, #tpu.memory_space<vmem>>) target_semaphore(%arg9 : memref<!tpu.dma_semaphore, #tpu.memory_space<semaphore_mem>>)
    %dma_start3A_17 = arith.constant 0 : i32
    %dma_start3A_18 = arith.constant 0 : i32
    %dma_start3A_19 = arith.constant 0 : i32
    %dma_start3A_20 = tpu.memref_slice %arg6[%dma_start3A_17, %dma_start3A_18, %dma_start3A_19] : memref<2x16x512xi32, #tpu.memory_space<vmem>> -> memref<1x16x512xi32, #tpu.memory_space<vmem>>
    %dma_start3A_21 = tpu.memref_squeeze %dma_start3A_20 : memref<1x16x512xi32, #tpu.memory_space<vmem>> -> memref<16x512xi32, #tpu.memory_space<vmem>>
    %dma_start3A_22 = arith.constant 0 : i32
    %dma_start3A_23 = tpu.memref_slice %arg3[%add3A_4, %dma_start3A_22] : memref<2048x512xi32, #tpu.memory_space<hbm>> -> memref<16x512xi32, #tpu.memory_space<hbm>>
    %dma_start3A_24 = arith.constant 0 : i32
    %dma_start3A_25 = arith.constant 0 : i32
    %dma_start3A_26 = tpu.memref_slice %arg6[%dma_start3A_17, %dma_start3A_24, %dma_start3A_25] : memref<2x16x512xi32, #tpu.memory_space<vmem>> -> memref<1x16x512xi32, #tpu.memory_space<vmem>>
    %dma_start3A_27 = tpu.memref_squeeze %dma_start3A_26 : memref<1x16x512xi32, #tpu.memory_space<vmem>> -> memref<16x512xi32, #tpu.memory_space<vmem>>
    %dma_start3A_28 = arith.constant 0 : i32
    %dma_start3A_29 = tpu.memref_slice %arg3[%add3A_4, %dma_start3A_28] : memref<2048x512xi32, #tpu.memory_space<hbm>> -> memref<16x512xi32, #tpu.memory_space<hbm>>
    tpu.enqueue_dma source(%dma_start3A_29 : memref<16x512xi32, #tpu.memory_space<hbm>>) target(%dma_start3A_27 : memref<16x512xi32, #tpu.memory_space<vmem>>) target_semaphore(%arg9 : memref<!tpu.dma_semaphore, #tpu.memory_space<semaphore_mem>>)
    %broadcast_in_dim3A = arith.constant 0.000000e+00 : f32
    %broadcast_in_dim3A_30 = vector.broadcast %broadcast_in_dim3A : f32 to vector<16xf32>
    %iota3A = tpu.iota {dimensions = array<i32: 0>} : vector<16xi32>
    %parallel_loop3A = arith.constant 0 : i32
    %parallel_loop3A_31 = arith.constant 1024 : i32
    %parallel_loop3A_32 = arith.constant 1 : i32
    scf.for %parallel_loop3A_248 = %parallel_loop3A to %parallel_loop3A_31 step %parallel_loop3A_32  : i32 {
      %parallel_loop3A_249 = arith.constant 16 : i32
      %parallel_loop3A_250 = arith.muli %parallel_loop3A_248, %parallel_loop3A_249 : i32
      %parallel_loop3A_251 = arith.index_cast %parallel_loop3A_250 : i32 to index
      %parallel_loop3A_252 = tpu.vector_load %arg7[%parallel_loop3A_251] {strides = array<i32>} : memref<16384xf32, #tpu.memory_space<vmem>>, vector<16xf32>,
      tpu.vector_store %arg7[%parallel_loop3A_251], %broadcast_in_dim3A_30 {strides = array<i32>} : memref<16384xf32, #tpu.memory_space<vmem>>, vector<16xf32>,
    } {sc.loop_unroll_factor = 8 : i64, sc.parallel_access}
    %mul3A_33 = arith.constant 1024 : i32
    %mul3A_34 = vector.broadcast %mul3A_33 : i32 to vector<16xi32>
    %mul3A_35 = arith.muli %iota3A, %mul3A_34 : vector<16xi32>
    %broadcast_in_dim3A_36 = arith.constant 1.000000e+00 : f32
    %broadcast_in_dim3A_37 = vector.broadcast %broadcast_in_dim3A_36 : f32 to vector<16xf32>
    %add3A_38 = arith.constant 16 : i32
    %add3A_39 = arith.addi %mul3A_2, %add3A_38 : i32
    %dma_start3A_40 = arith.constant 1 : i32
    %dma_start3A_41 = arith.constant 0 : i32
    %dma_start3A_42 = arith.constant 0 : i32
    %dma_start3A_43 = tpu.memref_slice %arg5[%dma_start3A_40, %dma_start3A_41, %dma_start3A_42] : memref<2x16x512xi32, #tpu.memory_space<vmem>> -> memref<1x16x512xi32, #tpu.memory_space<vmem>>
    %dma_start3A_44 = tpu.memref_squeeze %dma_start3A_43 : memref<1x16x512xi32, #tpu.memory_space<vmem>> -> memref<16x512xi32, #tpu.memory_space<vmem>>
    %dma_start3A_45 = arith.constant 0 : i32
    %dma_start3A_46 = tpu.memref_slice %arg2[%add3A_39, %dma_start3A_45] : memref<2048x512xi32, #tpu.memory_space<hbm>> -> memref<16x512xi32, #tpu.memory_space<hbm>>
    %dma_start3A_47 = arith.constant 0 : i32
    %dma_start3A_48 = arith.constant 0 : i32
    %dma_start3A_49 = tpu.memref_slice %arg5[%dma_start3A_40, %dma_start3A_47, %dma_start3A_48] : memref<2x16x512xi32, #tpu.memory_space<vmem>> -> memref<1x16x512xi32, #tpu.memory_space<vmem>>
    %dma_start3A_50 = tpu.memref_squeeze %dma_start3A_49 : memref<1x16x512xi32, #tpu.memory_space<vmem>> -> memref<16x512xi32, #tpu.memory_space<vmem>>
    %dma_start3A_51 = arith.constant 0 : i32
    %dma_start3A_52 = tpu.memref_slice %arg2[%add3A_39, %dma_start3A_51] : memref<2048x512xi32, #tpu.memory_space<hbm>> -> memref<16x512xi32, #tpu.memory_space<hbm>>
    tpu.enqueue_dma source(%dma_start3A_52 : memref<16x512xi32, #tpu.memory_space<hbm>>) target(%dma_start3A_50 : memref<16x512xi32, #tpu.memory_space<vmem>>) target_semaphore(%arg10 : memref<!tpu.dma_semaphore, #tpu.memory_space<semaphore_mem>>)
    %dma_start3A_53 = arith.constant 1 : i32
    %dma_start3A_54 = arith.constant 0 : i32
    %dma_start3A_55 = arith.constant 0 : i32
    %dma_start3A_56 = tpu.memref_slice %arg6[%dma_start3A_53, %dma_start3A_54, %dma_start3A_55] : memref<2x16x512xi32, #tpu.memory_space<vmem>> -> memref<1x16x512xi32, #tpu.memory_space<vmem>>
    %dma_start3A_57 = tpu.memref_squeeze %dma_start3A_56 : memref<1x16x512xi32, #tpu.memory_space<vmem>> -> memref<16x512xi32, #tpu.memory_space<vmem>>
    %dma_start3A_58 = arith.constant 0 : i32
    %dma_start3A_59 = tpu.memref_slice %arg3[%add3A_39, %dma_start3A_58] : memref<2048x512xi32, #tpu.memory_space<hbm>> -> memref<16x512xi32, #tpu.memory_space<hbm>>
    %dma_start3A_60 = arith.constant 0 : i32
    %dma_start3A_61 = arith.constant 0 : i32
    %dma_start3A_62 = tpu.memref_slice %arg6[%dma_start3A_53, %dma_start3A_60, %dma_start3A_61] : memref<2x16x512xi32, #tpu.memory_space<vmem>> -> memref<1x16x512xi32, #tpu.memory_space<vmem>>
    %dma_start3A_63 = tpu.memref_squeeze %dma_start3A_62 : memref<1x16x512xi32, #tpu.memory_space<vmem>> -> memref<16x512xi32, #tpu.memory_space<vmem>>
    %dma_start3A_64 = arith.constant 0 : i32
    %dma_start3A_65 = tpu.memref_slice %arg3[%add3A_39, %dma_start3A_64] : memref<2048x512xi32, #tpu.memory_space<hbm>> -> memref<16x512xi32, #tpu.memory_space<hbm>>
    tpu.enqueue_dma source(%dma_start3A_65 : memref<16x512xi32, #tpu.memory_space<hbm>>) target(%dma_start3A_63 : memref<16x512xi32, #tpu.memory_space<vmem>>) target_semaphore(%arg10 : memref<!tpu.dma_semaphore, #tpu.memory_space<semaphore_mem>>)
    %add3A_66 = arith.constant 0 : i32
    %add3A_67 = arith.addi %mul3A_2, %add3A_66 : i32
    %dma_wait3A = arith.constant 0 : i32
    %dma_wait3A_68 = arith.constant 0 : i32
    %dma_wait3A_69 = arith.constant 0 : i32
    %dma_wait3A_70 = tpu.memref_slice %arg5[%dma_wait3A, %dma_wait3A_68, %dma_wait3A_69] : memref<2x16x512xi32, #tpu.memory_space<vmem>> -> memref<1x16x512xi32, #tpu.memory_space<vmem>>
    %dma_wait3A_71 = tpu.memref_squeeze %dma_wait3A_70 : memref<1x16x512xi32, #tpu.memory_space<vmem>> -> memref<16x512xi32, #tpu.memory_space<vmem>>
    %dma_wait3A_72 = arith.constant 0 : i32
    %dma_wait3A_73 = tpu.memref_slice %arg2[%add3A_67, %dma_wait3A_72] : memref<2048x512xi32, #tpu.memory_space<hbm>> -> memref<16x512xi32, #tpu.memory_space<hbm>>
    %dma_wait3A_74 = arith.constant 0 : i32
    %dma_wait3A_75 = arith.constant 0 : i32
    %dma_wait3A_76 = tpu.memref_slice %arg5[%dma_wait3A, %dma_wait3A_74, %dma_wait3A_75] : memref<2x16x512xi32, #tpu.memory_space<vmem>> -> memref<1x16x512xi32, #tpu.memory_space<vmem>>
    %dma_wait3A_77 = tpu.memref_squeeze %dma_wait3A_76 : memref<1x16x512xi32, #tpu.memory_space<vmem>> -> memref<16x512xi32, #tpu.memory_space<vmem>>
    %dma_wait3A_78 = arith.constant 0 : i32
    %dma_wait3A_79 = tpu.memref_slice %arg2[%add3A_67, %dma_wait3A_78] : memref<2048x512xi32, #tpu.memory_space<hbm>> -> memref<16x512xi32, #tpu.memory_space<hbm>>
    tpu.wait_dma2 semaphore(%arg9 : memref<!tpu.dma_semaphore, #tpu.memory_space<semaphore_mem>>) src(%dma_wait3A_79 : memref<16x512xi32, #tpu.memory_space<hbm>>) dst(%dma_wait3A_77 : memref<16x512xi32, #tpu.memory_space<vmem>>)
    %dma_wait3A_80 = arith.constant 0 : i32
    %dma_wait3A_81 = arith.constant 0 : i32
    %dma_wait3A_82 = arith.constant 0 : i32
    %dma_wait3A_83 = tpu.memref_slice %arg6[%dma_wait3A_80, %dma_wait3A_81, %dma_wait3A_82] : memref<2x16x512xi32, #tpu.memory_space<vmem>> -> memref<1x16x512xi32, #tpu.memory_space<vmem>>
    %dma_wait3A_84 = tpu.memref_squeeze %dma_wait3A_83 : memref<1x16x512xi32, #tpu.memory_space<vmem>> -> memref<16x512xi32, #tpu.memory_space<vmem>>
    %dma_wait3A_85 = arith.constant 0 : i32
    %dma_wait3A_86 = tpu.memref_slice %arg3[%add3A_67, %dma_wait3A_85] : memref<2048x512xi32, #tpu.memory_space<hbm>> -> memref<16x512xi32, #tpu.memory_space<hbm>>
    %dma_wait3A_87 = arith.constant 0 : i32
    %dma_wait3A_88 = arith.constant 0 : i32
    %dma_wait3A_89 = tpu.memref_slice %arg6[%dma_wait3A_80, %dma_wait3A_87, %dma_wait3A_88] : memref<2x16x512xi32, #tpu.memory_space<vmem>> -> memref<1x16x512xi32, #tpu.memory_space<vmem>>
    %dma_wait3A_90 = tpu.memref_squeeze %dma_wait3A_89 : memref<1x16x512xi32, #tpu.memory_space<vmem>> -> memref<16x512xi32, #tpu.memory_space<vmem>>
    %dma_wait3A_91 = arith.constant 0 : i32
    %dma_wait3A_92 = tpu.memref_slice %arg3[%add3A_67, %dma_wait3A_91] : memref<2048x512xi32, #tpu.memory_space<hbm>> -> memref<16x512xi32, #tpu.memory_space<hbm>>
    tpu.wait_dma2 semaphore(%arg9 : memref<!tpu.dma_semaphore, #tpu.memory_space<semaphore_mem>>) src(%dma_wait3A_92 : memref<16x512xi32, #tpu.memory_space<hbm>>) dst(%dma_wait3A_90 : memref<16x512xi32, #tpu.memory_space<vmem>>)
    %parallel_loop3A_93 = arith.constant 0 : i32
    %parallel_loop3A_94 = arith.constant 512 : i32
    %parallel_loop3A_95 = arith.constant 1 : i32
    scf.for %parallel_loop3A_248 = %parallel_loop3A_93 to %parallel_loop3A_94 step %parallel_loop3A_95  : i32 {
      %parallel_loop3A_249 = arith.constant 5 : i32
      %parallel_loop3A_250 = arith.shrui %parallel_loop3A_248, %parallel_loop3A_249 : i32
      %parallel_loop3A_251 = arith.constant 31 : i32
      %parallel_loop3A_252 = arith.andi %parallel_loop3A_248, %parallel_loop3A_251 : i32
      %parallel_loop3A_253 = arith.constant 4 : i32
      %parallel_loop3A_254 = arith.shli %parallel_loop3A_252, %parallel_loop3A_253 : i32
      %parallel_loop3A_255 = arith.constant 0 : i32
      %parallel_loop3A_256 = arith.index_cast %parallel_loop3A_255 : i32 to index
      %parallel_loop3A_257 = arith.index_cast %parallel_loop3A_250 : i32 to index
      %parallel_loop3A_258 = arith.index_cast %parallel_loop3A_254 : i32 to index
      %parallel_loop3A_259 = tpu.vector_load %arg5[%parallel_loop3A_256, %parallel_loop3A_257, %parallel_loop3A_258] {strides = array<i32>} : memref<2x16x512xi32, #tpu.memory_space<vmem>>, vector<16xi32>,
      %parallel_loop3A_260 = arith.constant 0 : i32
      %parallel_loop3A_261 = arith.index_cast %parallel_loop3A_260 : i32 to index
      %parallel_loop3A_262 = arith.index_cast %parallel_loop3A_250 : i32 to index
      %parallel_loop3A_263 = arith.index_cast %parallel_loop3A_254 : i32 to index
      %parallel_loop3A_264 = tpu.vector_load %arg6[%parallel_loop3A_261, %parallel_loop3A_262, %parallel_loop3A_263] {strides = array<i32>} : memref<2x16x512xi32, #tpu.memory_space<vmem>>, vector<16xi32>,
      %parallel_loop3A_265 = arith.constant 32 : i32
      %parallel_loop3A_266 = vector.broadcast %parallel_loop3A_265 : i32 to vector<16xi32>
      %parallel_loop3A_267 = arith.muli %parallel_loop3A_259, %parallel_loop3A_266 : vector<16xi32>
      %parallel_loop3A_268 = arith.addi %parallel_loop3A_267, %parallel_loop3A_264 : vector<16xi32>
      %parallel_loop3A_269 = arith.addi %parallel_loop3A_268, %mul3A_35 : vector<16xi32>
      tpu.vector_store_idx %arg7[%parallel_loop3A_269], %broadcast_in_dim3A_37 {add = true} : memref<16384xf32, #tpu.memory_space<vmem>>[vector<16xi32>], vector<16xf32>,
    } {sc.loop_unroll_factor = 16 : i64, sc.parallel_access}
    %add3A_96 = arith.constant 32 : i32
    %add3A_97 = arith.addi %mul3A_2, %add3A_96 : i32
    %dma_start3A_98 = arith.constant 0 : i32
    %dma_start3A_99 = arith.constant 0 : i32
    %dma_start3A_100 = arith.constant 0 : i32
    %dma_start3A_101 = tpu.memref_slice %arg5[%dma_start3A_98, %dma_start3A_99, %dma_start3A_100] : memref<2x16x512xi32, #tpu.memory_space<vmem>> -> memref<1x16x512xi32, #tpu.memory_space<vmem>>
    %dma_start3A_102 = tpu.memref_squeeze %dma_start3A_101 : memref<1x16x512xi32, #tpu.memory_space<vmem>> -> memref<16x512xi32, #tpu.memory_space<vmem>>
    %dma_start3A_103 = arith.constant 0 : i32
    %dma_start3A_104 = tpu.memref_slice %arg2[%add3A_97, %dma_start3A_103] : memref<2048x512xi32, #tpu.memory_space<hbm>> -> memref<16x512xi32, #tpu.memory_space<hbm>>
    %dma_start3A_105 = arith.constant 0 : i32
    %dma_start3A_106 = arith.constant 0 : i32
    %dma_start3A_107 = tpu.memref_slice %arg5[%dma_start3A_98, %dma_start3A_105, %dma_start3A_106] : memref<2x16x512xi32, #tpu.memory_space<vmem>> -> memref<1x16x512xi32, #tpu.memory_space<vmem>>
    %dma_start3A_108 = tpu.memref_squeeze %dma_start3A_107 : memref<1x16x512xi32, #tpu.memory_space<vmem>> -> memref<16x512xi32, #tpu.memory_space<vmem>>
    %dma_start3A_109 = arith.constant 0 : i32
    %dma_start3A_110 = tpu.memref_slice %arg2[%add3A_97, %dma_start3A_109] : memref<2048x512xi32, #tpu.memory_space<hbm>> -> memref<16x512xi32, #tpu.memory_space<hbm>>
    tpu.enqueue_dma source(%dma_start3A_110 : memref<16x512xi32, #tpu.memory_space<hbm>>) target(%dma_start3A_108 : memref<16x512xi32, #tpu.memory_space<vmem>>) target_semaphore(%arg9 : memref<!tpu.dma_semaphore, #tpu.memory_space<semaphore_mem>>)
    %dma_start3A_111 = arith.constant 0 : i32
    %dma_start3A_112 = arith.constant 0 : i32
    %dma_start3A_113 = arith.constant 0 : i32
    %dma_start3A_114 = tpu.memref_slice %arg6[%dma_start3A_111, %dma_start3A_112, %dma_start3A_113] : memref<2x16x512xi32, #tpu.memory_space<vmem>> -> memref<1x16x512xi32, #tpu.memory_space<vmem>>
    %dma_start3A_115 = tpu.memref_squeeze %dma_start3A_114 : memref<1x16x512xi32, #tpu.memory_space<vmem>> -> memref<16x512xi32, #tpu.memory_space<vmem>>
    %dma_start3A_116 = arith.constant 0 : i32
    %dma_start3A_117 = tpu.memref_slice %arg3[%add3A_97, %dma_start3A_116] : memref<2048x512xi32, #tpu.memory_space<hbm>> -> memref<16x512xi32, #tpu.memory_space<hbm>>
    %dma_start3A_118 = arith.constant 0 : i32
    %dma_start3A_119 = arith.constant 0 : i32
    %dma_start3A_120 = tpu.memref_slice %arg6[%dma_start3A_111, %dma_start3A_118, %dma_start3A_119] : memref<2x16x512xi32, #tpu.memory_space<vmem>> -> memref<1x16x512xi32, #tpu.memory_space<vmem>>
    %dma_start3A_121 = tpu.memref_squeeze %dma_start3A_120 : memref<1x16x512xi32, #tpu.memory_space<vmem>> -> memref<16x512xi32, #tpu.memory_space<vmem>>
    %dma_start3A_122 = arith.constant 0 : i32
    %dma_start3A_123 = tpu.memref_slice %arg3[%add3A_97, %dma_start3A_122] : memref<2048x512xi32, #tpu.memory_space<hbm>> -> memref<16x512xi32, #tpu.memory_space<hbm>>
    tpu.enqueue_dma source(%dma_start3A_123 : memref<16x512xi32, #tpu.memory_space<hbm>>) target(%dma_start3A_121 : memref<16x512xi32, #tpu.memory_space<vmem>>) target_semaphore(%arg9 : memref<!tpu.dma_semaphore, #tpu.memory_space<semaphore_mem>>)
    %add3A_124 = arith.constant 16 : i32
    %add3A_125 = arith.addi %mul3A_2, %add3A_124 : i32
    %dma_wait3A_126 = arith.constant 1 : i32
    %dma_wait3A_127 = arith.constant 0 : i32
    %dma_wait3A_128 = arith.constant 0 : i32
    %dma_wait3A_129 = tpu.memref_slice %arg5[%dma_wait3A_126, %dma_wait3A_127, %dma_wait3A_128] : memref<2x16x512xi32, #tpu.memory_space<vmem>> -> memref<1x16x512xi32, #tpu.memory_space<vmem>>
    %dma_wait3A_130 = tpu.memref_squeeze %dma_wait3A_129 : memref<1x16x512xi32, #tpu.memory_space<vmem>> -> memref<16x512xi32, #tpu.memory_space<vmem>>
    %dma_wait3A_131 = arith.constant 0 : i32
    %dma_wait3A_132 = tpu.memref_slice %arg2[%add3A_125, %dma_wait3A_131] : memref<2048x512xi32, #tpu.memory_space<hbm>> -> memref<16x512xi32, #tpu.memory_space<hbm>>
    %dma_wait3A_133 = arith.constant 0 : i32
    %dma_wait3A_134 = arith.constant 0 : i32
    %dma_wait3A_135 = tpu.memref_slice %arg5[%dma_wait3A_126, %dma_wait3A_133, %dma_wait3A_134] : memref<2x16x512xi32, #tpu.memory_space<vmem>> -> memref<1x16x512xi32, #tpu.memory_space<vmem>>
    %dma_wait3A_136 = tpu.memref_squeeze %dma_wait3A_135 : memref<1x16x512xi32, #tpu.memory_space<vmem>> -> memref<16x512xi32, #tpu.memory_space<vmem>>
    %dma_wait3A_137 = arith.constant 0 : i32
    %dma_wait3A_138 = tpu.memref_slice %arg2[%add3A_125, %dma_wait3A_137] : memref<2048x512xi32, #tpu.memory_space<hbm>> -> memref<16x512xi32, #tpu.memory_space<hbm>>
    tpu.wait_dma2 semaphore(%arg10 : memref<!tpu.dma_semaphore, #tpu.memory_space<semaphore_mem>>) src(%dma_wait3A_138 : memref<16x512xi32, #tpu.memory_space<hbm>>) dst(%dma_wait3A_136 : memref<16x512xi32, #tpu.memory_space<vmem>>)
    %dma_wait3A_139 = arith.constant 1 : i32
    %dma_wait3A_140 = arith.constant 0 : i32
    %dma_wait3A_141 = arith.constant 0 : i32
    %dma_wait3A_142 = tpu.memref_slice %arg6[%dma_wait3A_139, %dma_wait3A_140, %dma_wait3A_141] : memref<2x16x512xi32, #tpu.memory_space<vmem>> -> memref<1x16x512xi32, #tpu.memory_space<vmem>>
    %dma_wait3A_143 = tpu.memref_squeeze %dma_wait3A_142 : memref<1x16x512xi32, #tpu.memory_space<vmem>> -> memref<16x512xi32, #tpu.memory_space<vmem>>
    %dma_wait3A_144 = arith.constant 0 : i32
    %dma_wait3A_145 = tpu.memref_slice %arg3[%add3A_125, %dma_wait3A_144] : memref<2048x512xi32, #tpu.memory_space<hbm>> -> memref<16x512xi32, #tpu.memory_space<hbm>>
    %dma_wait3A_146 = arith.constant 0 : i32
    %dma_wait3A_147 = arith.constant 0 : i32
    %dma_wait3A_148 = tpu.memref_slice %arg6[%dma_wait3A_139, %dma_wait3A_146, %dma_wait3A_147] : memref<2x16x512xi32, #tpu.memory_space<vmem>> -> memref<1x16x512xi32, #tpu.memory_space<vmem>>
    %dma_wait3A_149 = tpu.memref_squeeze %dma_wait3A_148 : memref<1x16x512xi32, #tpu.memory_space<vmem>> -> memref<16x512xi32, #tpu.memory_space<vmem>>
    %dma_wait3A_150 = arith.constant 0 : i32
    %dma_wait3A_151 = tpu.memref_slice %arg3[%add3A_125, %dma_wait3A_150] : memref<2048x512xi32, #tpu.memory_space<hbm>> -> memref<16x512xi32, #tpu.memory_space<hbm>>
    tpu.wait_dma2 semaphore(%arg10 : memref<!tpu.dma_semaphore, #tpu.memory_space<semaphore_mem>>) src(%dma_wait3A_151 : memref<16x512xi32, #tpu.memory_space<hbm>>) dst(%dma_wait3A_149 : memref<16x512xi32, #tpu.memory_space<vmem>>)
    %parallel_loop3A_152 = arith.constant 0 : i32
    %parallel_loop3A_153 = arith.constant 512 : i32
    %parallel_loop3A_154 = arith.constant 1 : i32
    scf.for %parallel_loop3A_248 = %parallel_loop3A_152 to %parallel_loop3A_153 step %parallel_loop3A_154  : i32 {
      %parallel_loop3A_249 = arith.constant 5 : i32
      %parallel_loop3A_250 = arith.shrui %parallel_loop3A_248, %parallel_loop3A_249 : i32
      %parallel_loop3A_251 = arith.constant 31 : i32
      %parallel_loop3A_252 = arith.andi %parallel_loop3A_248, %parallel_loop3A_251 : i32
      %parallel_loop3A_253 = arith.constant 4 : i32
      %parallel_loop3A_254 = arith.shli %parallel_loop3A_252, %parallel_loop3A_253 : i32
      %parallel_loop3A_255 = arith.constant 1 : i32
      %parallel_loop3A_256 = arith.index_cast %parallel_loop3A_255 : i32 to index
      %parallel_loop3A_257 = arith.index_cast %parallel_loop3A_250 : i32 to index
      %parallel_loop3A_258 = arith.index_cast %parallel_loop3A_254 : i32 to index
      %parallel_loop3A_259 = tpu.vector_load %arg5[%parallel_loop3A_256, %parallel_loop3A_257, %parallel_loop3A_258] {strides = array<i32>} : memref<2x16x512xi32, #tpu.memory_space<vmem>>, vector<16xi32>,
      %parallel_loop3A_260 = arith.constant 1 : i32
      %parallel_loop3A_261 = arith.index_cast %parallel_loop3A_260 : i32 to index
      %parallel_loop3A_262 = arith.index_cast %parallel_loop3A_250 : i32 to index
      %parallel_loop3A_263 = arith.index_cast %parallel_loop3A_254 : i32 to index
      %parallel_loop3A_264 = tpu.vector_load %arg6[%parallel_loop3A_261, %parallel_loop3A_262, %parallel_loop3A_263] {strides = array<i32>} : memref<2x16x512xi32, #tpu.memory_space<vmem>>, vector<16xi32>,
      %parallel_loop3A_265 = arith.constant 32 : i32
      %parallel_loop3A_266 = vector.broadcast %parallel_loop3A_265 : i32 to vector<16xi32>
      %parallel_loop3A_267 = arith.muli %parallel_loop3A_259, %parallel_loop3A_266 : vector<16xi32>
      %parallel_loop3A_268 = arith.addi %parallel_loop3A_267, %parallel_loop3A_264 : vector<16xi32>
      %parallel_loop3A_269 = arith.addi %parallel_loop3A_268, %mul3A_35 : vector<16xi32>
      tpu.vector_store_idx %arg7[%parallel_loop3A_269], %broadcast_in_dim3A_37 {add = true} : memref<16384xf32, #tpu.memory_space<vmem>>[vector<16xi32>], vector<16xf32>,
    } {sc.loop_unroll_factor = 16 : i64, sc.parallel_access}
    %add3A_155 = arith.constant 48 : i32
    %add3A_156 = arith.addi %mul3A_2, %add3A_155 : i32
    %dma_start3A_157 = arith.constant 1 : i32
    %dma_start3A_158 = arith.constant 0 : i32
    %dma_start3A_159 = arith.constant 0 : i32
    %dma_start3A_160 = tpu.memref_slice %arg5[%dma_start3A_157, %dma_start3A_158, %dma_start3A_159] : memref<2x16x512xi32, #tpu.memory_space<vmem>> -> memref<1x16x512xi32, #tpu.memory_space<vmem>>
    %dma_start3A_161 = tpu.memref_squeeze %dma_start3A_160 : memref<1x16x512xi32, #tpu.memory_space<vmem>> -> memref<16x512xi32, #tpu.memory_space<vmem>>
    %dma_start3A_162 = arith.constant 0 : i32
    %dma_start3A_163 = tpu.memref_slice %arg2[%add3A_156, %dma_start3A_162] : memref<2048x512xi32, #tpu.memory_space<hbm>> -> memref<16x512xi32, #tpu.memory_space<hbm>>
    %dma_start3A_164 = arith.constant 0 : i32
    %dma_start3A_165 = arith.constant 0 : i32
    %dma_start3A_166 = tpu.memref_slice %arg5[%dma_start3A_157, %dma_start3A_164, %dma_start3A_165] : memref<2x16x512xi32, #tpu.memory_space<vmem>> -> memref<1x16x512xi32, #tpu.memory_space<vmem>>
    %dma_start3A_167 = tpu.memref_squeeze %dma_start3A_166 : memref<1x16x512xi32, #tpu.memory_space<vmem>> -> memref<16x512xi32, #tpu.memory_space<vmem>>
    %dma_start3A_168 = arith.constant 0 : i32
    %dma_start3A_169 = tpu.memref_slice %arg2[%add3A_156, %dma_start3A_168] : memref<2048x512xi32, #tpu.memory_space<hbm>> -> memref<16x512xi32, #tpu.memory_space<hbm>>
    tpu.enqueue_dma source(%dma_start3A_169 : memref<16x512xi32, #tpu.memory_space<hbm>>) target(%dma_start3A_167 : memref<16x512xi32, #tpu.memory_space<vmem>>) target_semaphore(%arg10 : memref<!tpu.dma_semaphore, #tpu.memory_space<semaphore_mem>>)
    %dma_start3A_170 = arith.constant 1 : i32
    %dma_start3A_171 = arith.constant 0 : i32
    %dma_start3A_172 = arith.constant 0 : i32
    %dma_start3A_173 = tpu.memref_slice %arg6[%dma_start3A_170, %dma_start3A_171, %dma_start3A_172] : memref<2x16x512xi32, #tpu.memory_space<vmem>> -> memref<1x16x512xi32, #tpu.memory_space<vmem>>
    %dma_start3A_174 = tpu.memref_squeeze %dma_start3A_173 : memref<1x16x512xi32, #tpu.memory_space<vmem>> -> memref<16x512xi32, #tpu.memory_space<vmem>>
    %dma_start3A_175 = arith.constant 0 : i32
    %dma_start3A_176 = tpu.memref_slice %arg3[%add3A_156, %dma_start3A_175] : memref<2048x512xi32, #tpu.memory_space<hbm>> -> memref<16x512xi32, #tpu.memory_space<hbm>>
    %dma_start3A_177 = arith.constant 0 : i32
    %dma_start3A_178 = arith.constant 0 : i32
    %dma_start3A_179 = tpu.memref_slice %arg6[%dma_start3A_170, %dma_start3A_177, %dma_start3A_178] : memref<2x16x512xi32, #tpu.memory_space<vmem>> -> memref<1x16x512xi32, #tpu.memory_space<vmem>>
    %dma_start3A_180 = tpu.memref_squeeze %dma_start3A_179 : memref<1x16x512xi32, #tpu.memory_space<vmem>> -> memref<16x512xi32, #tpu.memory_space<vmem>>
    %dma_start3A_181 = arith.constant 0 : i32
    %dma_start3A_182 = tpu.memref_slice %arg3[%add3A_156, %dma_start3A_181] : memref<2048x512xi32, #tpu.memory_space<hbm>> -> memref<16x512xi32, #tpu.memory_space<hbm>>
    tpu.enqueue_dma source(%dma_start3A_182 : memref<16x512xi32, #tpu.memory_space<hbm>>) target(%dma_start3A_180 : memref<16x512xi32, #tpu.memory_space<vmem>>) target_semaphore(%arg10 : memref<!tpu.dma_semaphore, #tpu.memory_space<semaphore_mem>>)
    %add3A_183 = arith.constant 32 : i32
    %add3A_184 = arith.addi %mul3A_2, %add3A_183 : i32
    %dma_wait3A_185 = arith.constant 0 : i32
    %dma_wait3A_186 = arith.constant 0 : i32
    %dma_wait3A_187 = arith.constant 0 : i32
    %dma_wait3A_188 = tpu.memref_slice %arg5[%dma_wait3A_185, %dma_wait3A_186, %dma_wait3A_187] : memref<2x16x512xi32, #tpu.memory_space<vmem>> -> memref<1x16x512xi32, #tpu.memory_space<vmem>>
    %dma_wait3A_189 = tpu.memref_squeeze %dma_wait3A_188 : memref<1x16x512xi32, #tpu.memory_space<vmem>> -> memref<16x512xi32, #tpu.memory_space<vmem>>
    %dma_wait3A_190 = arith.constant 0 : i32
    %dma_wait3A_191 = tpu.memref_slice %arg2[%add3A_184, %dma_wait3A_190] : memref<2048x512xi32, #tpu.memory_space<hbm>> -> memref<16x512xi32, #tpu.memory_space<hbm>>
    %dma_wait3A_192 = arith.constant 0 : i32
    %dma_wait3A_193 = arith.constant 0 : i32
    %dma_wait3A_194 = tpu.memref_slice %arg5[%dma_wait3A_185, %dma_wait3A_192, %dma_wait3A_193] : memref<2x16x512xi32, #tpu.memory_space<vmem>> -> memref<1x16x512xi32, #tpu.memory_space<vmem>>
    %dma_wait3A_195 = tpu.memref_squeeze %dma_wait3A_194 : memref<1x16x512xi32, #tpu.memory_space<vmem>> -> memref<16x512xi32, #tpu.memory_space<vmem>>
    %dma_wait3A_196 = arith.constant 0 : i32
    %dma_wait3A_197 = tpu.memref_slice %arg2[%add3A_184, %dma_wait3A_196] : memref<2048x512xi32, #tpu.memory_space<hbm>> -> memref<16x512xi32, #tpu.memory_space<hbm>>
    tpu.wait_dma2 semaphore(%arg9 : memref<!tpu.dma_semaphore, #tpu.memory_space<semaphore_mem>>) src(%dma_wait3A_197 : memref<16x512xi32, #tpu.memory_space<hbm>>) dst(%dma_wait3A_195 : memref<16x512xi32, #tpu.memory_space<vmem>>)
    %dma_wait3A_198 = arith.constant 0 : i32
    %dma_wait3A_199 = arith.constant 0 : i32
    %dma_wait3A_200 = arith.constant 0 : i32
    %dma_wait3A_201 = tpu.memref_slice %arg6[%dma_wait3A_198, %dma_wait3A_199, %dma_wait3A_200] : memref<2x16x512xi32, #tpu.memory_space<vmem>> -> memref<1x16x512xi32, #tpu.memory_space<vmem>>
    %dma_wait3A_202 = tpu.memref_squeeze %dma_wait3A_201 : memref<1x16x512xi32, #tpu.memory_space<vmem>> -> memref<16x512xi32, #tpu.memory_space<vmem>>
    %dma_wait3A_203 = arith.constant 0 : i32
    %dma_wait3A_204 = tpu.memref_slice %arg3[%add3A_184, %dma_wait3A_203] : memref<2048x512xi32, #tpu.memory_space<hbm>> -> memref<16x512xi32, #tpu.memory_space<hbm>>
    %dma_wait3A_205 = arith.constant 0 : i32
    %dma_wait3A_206 = arith.constant 0 : i32
    %dma_wait3A_207 = tpu.memref_slice %arg6[%dma_wait3A_198, %dma_wait3A_205, %dma_wait3A_206] : memref<2x16x512xi32, #tpu.memory_space<vmem>> -> memref<1x16x512xi32, #tpu.memory_space<vmem>>
    %dma_wait3A_208 = tpu.memref_squeeze %dma_wait3A_207 : memref<1x16x512xi32, #tpu.memory_space<vmem>> -> memref<16x512xi32, #tpu.memory_space<vmem>>
    %dma_wait3A_209 = arith.constant 0 : i32
    %dma_wait3A_210 = tpu.memref_slice %arg3[%add3A_184, %dma_wait3A_209] : memref<2048x512xi32, #tpu.memory_space<hbm>> -> memref<16x512xi32, #tpu.memory_space<hbm>>
    tpu.wait_dma2 semaphore(%arg9 : memref<!tpu.dma_semaphore, #tpu.memory_space<semaphore_mem>>) src(%dma_wait3A_210 : memref<16x512xi32, #tpu.memory_space<hbm>>) dst(%dma_wait3A_208 : memref<16x512xi32, #tpu.memory_space<vmem>>)
    %parallel_loop3A_211 = arith.constant 0 : i32
    %parallel_loop3A_212 = arith.constant 512 : i32
    %parallel_loop3A_213 = arith.constant 1 : i32
    scf.for %parallel_loop3A_248 = %parallel_loop3A_211 to %parallel_loop3A_212 step %parallel_loop3A_213  : i32 {
      %parallel_loop3A_249 = arith.constant 5 : i32
      %parallel_loop3A_250 = arith.shrui %parallel_loop3A_248, %parallel_loop3A_249 : i32
      %parallel_loop3A_251 = arith.constant 31 : i32
      %parallel_loop3A_252 = arith.andi %parallel_loop3A_248, %parallel_loop3A_251 : i32
      %parallel_loop3A_253 = arith.constant 4 : i32
      %parallel_loop3A_254 = arith.shli %parallel_loop3A_252, %parallel_loop3A_253 : i32
      %parallel_loop3A_255 = arith.constant 0 : i32
      %parallel_loop3A_256 = arith.index_cast %parallel_loop3A_255 : i32 to index
      %parallel_loop3A_257 = arith.index_cast %parallel_loop3A_250 : i32 to index
      %parallel_loop3A_258 = arith.index_cast %parallel_loop3A_254 : i32 to index
      %parallel_loop3A_259 = tpu.vector_load %arg5[%parallel_loop3A_256, %parallel_loop3A_257, %parallel_loop3A_258] {strides = array<i32>} : memref<2x16x512xi32, #tpu.memory_space<vmem>>, vector<16xi32>,
      %parallel_loop3A_260 = arith.constant 0 : i32
      %parallel_loop3A_261 = arith.index_cast %parallel_loop3A_260 : i32 to index
      %parallel_loop3A_262 = arith.index_cast %parallel_loop3A_250 : i32 to index
      %parallel_loop3A_263 = arith.index_cast %parallel_loop3A_254 : i32 to index
      %parallel_loop3A_264 = tpu.vector_load %arg6[%parallel_loop3A_261, %parallel_loop3A_262, %parallel_loop3A_263] {strides = array<i32>} : memref<2x16x512xi32, #tpu.memory_space<vmem>>, vector<16xi32>,
      %parallel_loop3A_265 = arith.constant 32 : i32
      %parallel_loop3A_266 = vector.broadcast %parallel_loop3A_265 : i32 to vector<16xi32>
      %parallel_loop3A_267 = arith.muli %parallel_loop3A_259, %parallel_loop3A_266 : vector<16xi32>
      %parallel_loop3A_268 = arith.addi %parallel_loop3A_267, %parallel_loop3A_264 : vector<16xi32>
      %parallel_loop3A_269 = arith.addi %parallel_loop3A_268, %mul3A_35 : vector<16xi32>
      tpu.vector_store_idx %arg7[%parallel_loop3A_269], %broadcast_in_dim3A_37 {add = true} : memref<16384xf32, #tpu.memory_space<vmem>>[vector<16xi32>], vector<16xf32>,
    } {sc.loop_unroll_factor = 16 : i64, sc.parallel_access}
    %add3A_214 = arith.constant 48 : i32
    %add3A_215 = arith.addi %mul3A_2, %add3A_214 : i32
    %dma_wait3A_216 = arith.constant 1 : i32
    %dma_wait3A_217 = arith.constant 0 : i32
    %dma_wait3A_218 = arith.constant 0 : i32
    %dma_wait3A_219 = tpu.memref_slice %arg5[%dma_wait3A_216, %dma_wait3A_217, %dma_wait3A_218] : memref<2x16x512xi32, #tpu.memory_space<vmem>> -> memref<1x16x512xi32, #tpu.memory_space<vmem>>
    %dma_wait3A_220 = tpu.memref_squeeze %dma_wait3A_219 : memref<1x16x512xi32, #tpu.memory_space<vmem>> -> memref<16x512xi32, #tpu.memory_space<vmem>>
    %dma_wait3A_221 = arith.constant 0 : i32
    %dma_wait3A_222 = tpu.memref_slice %arg2[%add3A_215, %dma_wait3A_221] : memref<2048x512xi32, #tpu.memory_space<hbm>> -> memref<16x512xi32, #tpu.memory_space<hbm>>
    %dma_wait3A_223 = arith.constant 0 : i32
    %dma_wait3A_224 = arith.constant 0 : i32
    %dma_wait3A_225 = tpu.memref_slice %arg5[%dma_wait3A_216, %dma_wait3A_223, %dma_wait3A_224] : memref<2x16x512xi32, #tpu.memory_space<vmem>> -> memref<1x16x512xi32, #tpu.memory_space<vmem>>
    %dma_wait3A_226 = tpu.memref_squeeze %dma_wait3A_225 : memref<1x16x512xi32, #tpu.memory_space<vmem>> -> memref<16x512xi32, #tpu.memory_space<vmem>>
    %dma_wait3A_227 = arith.constant 0 : i32
    %dma_wait3A_228 = tpu.memref_slice %arg2[%add3A_215, %dma_wait3A_227] : memref<2048x512xi32, #tpu.memory_space<hbm>> -> memref<16x512xi32, #tpu.memory_space<hbm>>
    tpu.wait_dma2 semaphore(%arg10 : memref<!tpu.dma_semaphore, #tpu.memory_space<semaphore_mem>>) src(%dma_wait3A_228 : memref<16x512xi32, #tpu.memory_space<hbm>>) dst(%dma_wait3A_226 : memref<16x512xi32, #tpu.memory_space<vmem>>)
    %dma_wait3A_229 = arith.constant 1 : i32
    %dma_wait3A_230 = arith.constant 0 : i32
    %dma_wait3A_231 = arith.constant 0 : i32
    %dma_wait3A_232 = tpu.memref_slice %arg6[%dma_wait3A_229, %dma_wait3A_230, %dma_wait3A_231] : memref<2x16x512xi32, #tpu.memory_space<vmem>> -> memref<1x16x512xi32, #tpu.memory_space<vmem>>
    %dma_wait3A_233 = tpu.memref_squeeze %dma_wait3A_232 : memref<1x16x512xi32, #tpu.memory_space<vmem>> -> memref<16x512xi32, #tpu.memory_space<vmem>>
    %dma_wait3A_234 = arith.constant 0 : i32
    %dma_wait3A_235 = tpu.memref_slice %arg3[%add3A_215, %dma_wait3A_234] : memref<2048x512xi32, #tpu.memory_space<hbm>> -> memref<16x512xi32, #tpu.memory_space<hbm>>
    %dma_wait3A_236 = arith.constant 0 : i32
    %dma_wait3A_237 = arith.constant 0 : i32
    %dma_wait3A_238 = tpu.memref_slice %arg6[%dma_wait3A_229, %dma_wait3A_236, %dma_wait3A_237] : memref<2x16x512xi32, #tpu.memory_space<vmem>> -> memref<1x16x512xi32, #tpu.memory_space<vmem>>
    %dma_wait3A_239 = tpu.memref_squeeze %dma_wait3A_238 : memref<1x16x512xi32, #tpu.memory_space<vmem>> -> memref<16x512xi32, #tpu.memory_space<vmem>>
    %dma_wait3A_240 = arith.constant 0 : i32
    %dma_wait3A_241 = tpu.memref_slice %arg3[%add3A_215, %dma_wait3A_240] : memref<2048x512xi32, #tpu.memory_space<hbm>> -> memref<16x512xi32, #tpu.memory_space<hbm>>
    tpu.wait_dma2 semaphore(%arg10 : memref<!tpu.dma_semaphore, #tpu.memory_space<semaphore_mem>>) src(%dma_wait3A_241 : memref<16x512xi32, #tpu.memory_space<hbm>>) dst(%dma_wait3A_239 : memref<16x512xi32, #tpu.memory_space<vmem>>)
    %parallel_loop3A_242 = arith.constant 0 : i32
    %parallel_loop3A_243 = arith.constant 512 : i32
    %parallel_loop3A_244 = arith.constant 1 : i32
    scf.for %parallel_loop3A_248 = %parallel_loop3A_242 to %parallel_loop3A_243 step %parallel_loop3A_244  : i32 {
      %parallel_loop3A_249 = arith.constant 5 : i32
      %parallel_loop3A_250 = arith.shrui %parallel_loop3A_248, %parallel_loop3A_249 : i32
      %parallel_loop3A_251 = arith.constant 31 : i32
      %parallel_loop3A_252 = arith.andi %parallel_loop3A_248, %parallel_loop3A_251 : i32
      %parallel_loop3A_253 = arith.constant 4 : i32
      %parallel_loop3A_254 = arith.shli %parallel_loop3A_252, %parallel_loop3A_253 : i32
      %parallel_loop3A_255 = arith.constant 1 : i32
      %parallel_loop3A_256 = arith.index_cast %parallel_loop3A_255 : i32 to index
      %parallel_loop3A_257 = arith.index_cast %parallel_loop3A_250 : i32 to index
      %parallel_loop3A_258 = arith.index_cast %parallel_loop3A_254 : i32 to index
      %parallel_loop3A_259 = tpu.vector_load %arg5[%parallel_loop3A_256, %parallel_loop3A_257, %parallel_loop3A_258] {strides = array<i32>} : memref<2x16x512xi32, #tpu.memory_space<vmem>>, vector<16xi32>,
      %parallel_loop3A_260 = arith.constant 1 : i32
      %parallel_loop3A_261 = arith.index_cast %parallel_loop3A_260 : i32 to index
      %parallel_loop3A_262 = arith.index_cast %parallel_loop3A_250 : i32 to index
      %parallel_loop3A_263 = arith.index_cast %parallel_loop3A_254 : i32 to index
      %parallel_loop3A_264 = tpu.vector_load %arg6[%parallel_loop3A_261, %parallel_loop3A_262, %parallel_loop3A_263] {strides = array<i32>} : memref<2x16x512xi32, #tpu.memory_space<vmem>>, vector<16xi32>,
      %parallel_loop3A_265 = arith.constant 32 : i32
      %parallel_loop3A_266 = vector.broadcast %parallel_loop3A_265 : i32 to vector<16xi32>
      %parallel_loop3A_267 = arith.muli %parallel_loop3A_259, %parallel_loop3A_266 : vector<16xi32>
      %parallel_loop3A_268 = arith.addi %parallel_loop3A_267, %parallel_loop3A_264 : vector<16xi32>
      %parallel_loop3A_269 = arith.addi %parallel_loop3A_268, %mul3A_35 : vector<16xi32>
      tpu.vector_store_idx %arg7[%parallel_loop3A_269], %broadcast_in_dim3A_37 {add = true} : memref<16384xf32, #tpu.memory_space<vmem>>[vector<16xi32>], vector<16xf32>,
    } {sc.loop_unroll_factor = 16 : i64, sc.parallel_access}
    %parallel_loop3A_245 = arith.constant 0 : i32
    %parallel_loop3A_246 = arith.constant 64 : i32
    %parallel_loop3A_247 = arith.constant 1 : i32
    scf.for %parallel_loop3A_248 = %parallel_loop3A_245 to %parallel_loop3A_246 step %parallel_loop3A_247  : i32 {
      %parallel_loop3A_249 = arith.constant 16 : i32
      %parallel_loop3A_250 = arith.muli %parallel_loop3A_248, %parallel_loop3A_249 : i32
      %parallel_loop3A_251 = arith.index_cast %parallel_loop3A_250 : i32 to index
      %parallel_loop3A_252 = tpu.vector_load %arg7[%parallel_loop3A_251] {strides = array<i32>} : memref<16384xf32, #tpu.memory_space<vmem>>, vector<16xf32>,
      %parallel_loop3A_253 = arith.constant 16 : i32
      %parallel_loop3A_254 = arith.muli %parallel_loop3A_248, %parallel_loop3A_253 : i32
      %parallel_loop3A_255 = arith.constant 1024 : i32
      %parallel_loop3A_256 = arith.addi %parallel_loop3A_255, %parallel_loop3A_254 : i32
      %parallel_loop3A_257 = arith.index_cast %parallel_loop3A_256 : i32 to index
      %parallel_loop3A_258 = tpu.vector_load %arg7[%parallel_loop3A_257] {strides = array<i32>} : memref<16384xf32, #tpu.memory_space<vmem>>, vector<16xf32>,
      %parallel_loop3A_259 = arith.addf %parallel_loop3A_252, %parallel_loop3A_258 : vector<16xf32>
      %parallel_loop3A_260 = arith.constant 16 : i32
      %parallel_loop3A_261 = arith.muli %parallel_loop3A_248, %parallel_loop3A_260 : i32
      %parallel_loop3A_262 = arith.constant 2048 : i32
      %parallel_loop3A_263 = arith.addi %parallel_loop3A_262, %parallel_loop3A_261 : i32
      %parallel_loop3A_264 = arith.index_cast %parallel_loop3A_263 : i32 to index
      %parallel_loop3A_265 = tpu.vector_load %arg7[%parallel_loop3A_264] {strides = array<i32>} : memref<16384xf32, #tpu.memory_space<vmem>>, vector<16xf32>,
      %parallel_loop3A_266 = arith.addf %parallel_loop3A_259, %parallel_loop3A_265 : vector<16xf32>
      %parallel_loop3A_267 = arith.constant 16 : i32
      %parallel_loop3A_268 = arith.muli %parallel_loop3A_248, %parallel_loop3A_267 : i32
      %parallel_loop3A_269 = arith.constant 3072 : i32
      %parallel_loop3A_270 = arith.addi %parallel_loop3A_269, %parallel_loop3A_268 : i32
      %parallel_loop3A_271 = arith.index_cast %parallel_loop3A_270 : i32 to index
      %parallel_loop3A_272 = tpu.vector_load %arg7[%parallel_loop3A_271] {strides = array<i32>} : memref<16384xf32, #tpu.memory_space<vmem>>, vector<16xf32>,
      %parallel_loop3A_273 = arith.addf %parallel_loop3A_266, %parallel_loop3A_272 : vector<16xf32>
      %parallel_loop3A_274 = arith.constant 16 : i32
      %parallel_loop3A_275 = arith.muli %parallel_loop3A_248, %parallel_loop3A_274 : i32
      %parallel_loop3A_276 = arith.constant 4096 : i32
      %parallel_loop3A_277 = arith.addi %parallel_loop3A_276, %parallel_loop3A_275 : i32
      %parallel_loop3A_278 = arith.index_cast %parallel_loop3A_277 : i32 to index
      %parallel_loop3A_279 = tpu.vector_load %arg7[%parallel_loop3A_278] {strides = array<i32>} : memref<16384xf32, #tpu.memory_space<vmem>>, vector<16xf32>,
      %parallel_loop3A_280 = arith.addf %parallel_loop3A_273, %parallel_loop3A_279 : vector<16xf32>
      %parallel_loop3A_281 = arith.constant 16 : i32
      %parallel_loop3A_282 = arith.muli %parallel_loop3A_248, %parallel_loop3A_281 : i32
      %parallel_loop3A_283 = arith.constant 5120 : i32
      %parallel_loop3A_284 = arith.addi %parallel_loop3A_283, %parallel_loop3A_282 : i32
      %parallel_loop3A_285 = arith.index_cast %parallel_loop3A_284 : i32 to index
      %parallel_loop3A_286 = tpu.vector_load %arg7[%parallel_loop3A_285] {strides = array<i32>} : memref<16384xf32, #tpu.memory_space<vmem>>, vector<16xf32>,
      %parallel_loop3A_287 = arith.addf %parallel_loop3A_280, %parallel_loop3A_286 : vector<16xf32>
      %parallel_loop3A_288 = arith.constant 16 : i32
      %parallel_loop3A_289 = arith.muli %parallel_loop3A_248, %parallel_loop3A_288 : i32
      %parallel_loop3A_290 = arith.constant 6144 : i32
      %parallel_loop3A_291 = arith.addi %parallel_loop3A_290, %parallel_loop3A_289 : i32
      %parallel_loop3A_292 = arith.index_cast %parallel_loop3A_291 : i32 to index
      %parallel_loop3A_293 = tpu.vector_load %arg7[%parallel_loop3A_292] {strides = array<i32>} : memref<16384xf32, #tpu.memory_space<vmem>>, vector<16xf32>,
      %parallel_loop3A_294 = arith.addf %parallel_loop3A_287, %parallel_loop3A_293 : vector<16xf32>
      %parallel_loop3A_295 = arith.constant 16 : i32
      %parallel_loop3A_296 = arith.muli %parallel_loop3A_248, %parallel_loop3A_295 : i32
      %parallel_loop3A_297 = arith.constant 7168 : i32
      %parallel_loop3A_298 = arith.addi %parallel_loop3A_297, %parallel_loop3A_296 : i32
      %parallel_loop3A_299 = arith.index_cast %parallel_loop3A_298 : i32 to index
      %parallel_loop3A_300 = tpu.vector_load %arg7[%parallel_loop3A_299] {strides = array<i32>} : memref<16384xf32, #tpu.memory_space<vmem>>, vector<16xf32>,
      %parallel_loop3A_301 = arith.addf %parallel_loop3A_294, %parallel_loop3A_300 : vector<16xf32>
      %parallel_loop3A_302 = arith.constant 16 : i32
      %parallel_loop3A_303 = arith.muli %parallel_loop3A_248, %parallel_loop3A_302 : i32
      %parallel_loop3A_304 = arith.constant 8192 : i32
      %parallel_loop3A_305 = arith.addi %parallel_loop3A_304, %parallel_loop3A_303 : i32
      %parallel_loop3A_306 = arith.index_cast %parallel_loop3A_305 : i32 to index
      %parallel_loop3A_307 = tpu.vector_load %arg7[%parallel_loop3A_306] {strides = array<i32>} : memref<16384xf32, #tpu.memory_space<vmem>>, vector<16xf32>,
      %parallel_loop3A_308 = arith.addf %parallel_loop3A_301, %parallel_loop3A_307 : vector<16xf32>
      %parallel_loop3A_309 = arith.constant 16 : i32
      %parallel_loop3A_310 = arith.muli %parallel_loop3A_248, %parallel_loop3A_309 : i32
      %parallel_loop3A_311 = arith.constant 9216 : i32
      %parallel_loop3A_312 = arith.addi %parallel_loop3A_311, %parallel_loop3A_310 : i32
      %parallel_loop3A_313 = arith.index_cast %parallel_loop3A_312 : i32 to index
      %parallel_loop3A_314 = tpu.vector_load %arg7[%parallel_loop3A_313] {strides = array<i32>} : memref<16384xf32, #tpu.memory_space<vmem>>, vector<16xf32>,
      %parallel_loop3A_315 = arith.addf %parallel_loop3A_308, %parallel_loop3A_314 : vector<16xf32>
      %parallel_loop3A_316 = arith.constant 16 : i32
      %parallel_loop3A_317 = arith.muli %parallel_loop3A_248, %parallel_loop3A_316 : i32
      %parallel_loop3A_318 = arith.constant 10240 : i32
      %parallel_loop3A_319 = arith.addi %parallel_loop3A_318, %parallel_loop3A_317 : i32
      %parallel_loop3A_320 = arith.index_cast %parallel_loop3A_319 : i32 to index
      %parallel_loop3A_321 = tpu.vector_load %arg7[%parallel_loop3A_320] {strides = array<i32>} : memref<16384xf32, #tpu.memory_space<vmem>>, vector<16xf32>,
      %parallel_loop3A_322 = arith.addf %parallel_loop3A_315, %parallel_loop3A_321 : vector<16xf32>
      %parallel_loop3A_323 = arith.constant 16 : i32
      %parallel_loop3A_324 = arith.muli %parallel_loop3A_248, %parallel_loop3A_323 : i32
      %parallel_loop3A_325 = arith.constant 11264 : i32
      %parallel_loop3A_326 = arith.addi %parallel_loop3A_325, %parallel_loop3A_324 : i32
      %parallel_loop3A_327 = arith.index_cast %parallel_loop3A_326 : i32 to index
      %parallel_loop3A_328 = tpu.vector_load %arg7[%parallel_loop3A_327] {strides = array<i32>} : memref<16384xf32, #tpu.memory_space<vmem>>, vector<16xf32>,
      %parallel_loop3A_329 = arith.addf %parallel_loop3A_322, %parallel_loop3A_328 : vector<16xf32>
      %parallel_loop3A_330 = arith.constant 16 : i32
      %parallel_loop3A_331 = arith.muli %parallel_loop3A_248, %parallel_loop3A_330 : i32
      %parallel_loop3A_332 = arith.constant 12288 : i32
      %parallel_loop3A_333 = arith.addi %parallel_loop3A_332, %parallel_loop3A_331 : i32
      %parallel_loop3A_334 = arith.index_cast %parallel_loop3A_333 : i32 to index
      %parallel_loop3A_335 = tpu.vector_load %arg7[%parallel_loop3A_334] {strides = array<i32>} : memref<16384xf32, #tpu.memory_space<vmem>>, vector<16xf32>,
      %parallel_loop3A_336 = arith.addf %parallel_loop3A_329, %parallel_loop3A_335 : vector<16xf32>
      %parallel_loop3A_337 = arith.constant 16 : i32
      %parallel_loop3A_338 = arith.muli %parallel_loop3A_248, %parallel_loop3A_337 : i32
      %parallel_loop3A_339 = arith.constant 13312 : i32
      %parallel_loop3A_340 = arith.addi %parallel_loop3A_339, %parallel_loop3A_338 : i32
      %parallel_loop3A_341 = arith.index_cast %parallel_loop3A_340 : i32 to index
      %parallel_loop3A_342 = tpu.vector_load %arg7[%parallel_loop3A_341] {strides = array<i32>} : memref<16384xf32, #tpu.memory_space<vmem>>, vector<16xf32>,
      %parallel_loop3A_343 = arith.addf %parallel_loop3A_336, %parallel_loop3A_342 : vector<16xf32>
      %parallel_loop3A_344 = arith.constant 16 : i32
      %parallel_loop3A_345 = arith.muli %parallel_loop3A_248, %parallel_loop3A_344 : i32
      %parallel_loop3A_346 = arith.constant 14336 : i32
      %parallel_loop3A_347 = arith.addi %parallel_loop3A_346, %parallel_loop3A_345 : i32
      %parallel_loop3A_348 = arith.index_cast %parallel_loop3A_347 : i32 to index
      %parallel_loop3A_349 = tpu.vector_load %arg7[%parallel_loop3A_348] {strides = array<i32>} : memref<16384xf32, #tpu.memory_space<vmem>>, vector<16xf32>,
      %parallel_loop3A_350 = arith.addf %parallel_loop3A_343, %parallel_loop3A_349 : vector<16xf32>
      %parallel_loop3A_351 = arith.constant 16 : i32
      %parallel_loop3A_352 = arith.muli %parallel_loop3A_248, %parallel_loop3A_351 : i32
      %parallel_loop3A_353 = arith.constant 15360 : i32
      %parallel_loop3A_354 = arith.addi %parallel_loop3A_353, %parallel_loop3A_352 : i32
      %parallel_loop3A_355 = arith.index_cast %parallel_loop3A_354 : i32 to index
      %parallel_loop3A_356 = tpu.vector_load %arg7[%parallel_loop3A_355] {strides = array<i32>} : memref<16384xf32, #tpu.memory_space<vmem>>, vector<16xf32>,
      %parallel_loop3A_357 = arith.addf %parallel_loop3A_350, %parallel_loop3A_356 : vector<16xf32>
      %parallel_loop3A_358 = arith.index_cast %parallel_loop3A_248 : i32 to index
      %parallel_loop3A_359 = arith.constant 0 : index
      %parallel_loop3A_360 = tpu.vector_load %arg8[%parallel_loop3A_358, %parallel_loop3A_359] {strides = array<i32>} : memref<64x16xf32, #tpu.memory_space<vmem>>, vector<16xf32>,
      tpu.vector_store %arg8[%parallel_loop3A_358, %parallel_loop3A_359], %parallel_loop3A_357 {strides = array<i32>} : memref<64x16xf32, #tpu.memory_space<vmem>>, vector<16xf32>,
    } {sc.loop_unroll_factor = 2 : i64, sc.parallel_access}
    "tpu.region"() ({
      %run_scoped3A = tpu.sem_alloc : memref<!tpu.dma_semaphore, #tpu.memory_space<semaphore_mem>>
      %dma_start3A_248 = arith.constant 0 : i32
      %dma_start3A_249 = arith.constant 0 : i32
      %dma_start3A_250 = tpu.memref_slice %arg4[%add3A, %dma_start3A_248, %dma_start3A_249] : memref<32x64x16xf32, #tpu.memory_space<hbm>> -> memref<1x64x16xf32, #tpu.memory_space<hbm>>
      %dma_start3A_251 = tpu.memref_squeeze %dma_start3A_250 : memref<1x64x16xf32, #tpu.memory_space<hbm>> -> memref<64x16xf32, #tpu.memory_space<hbm>>
      %dma_start3A_252 = arith.constant 0 : i32
      %dma_start3A_253 = arith.constant 0 : i32
      %dma_start3A_254 = tpu.memref_slice %arg4[%add3A, %dma_start3A_252, %dma_start3A_253] : memref<32x64x16xf32, #tpu.memory_space<hbm>> -> memref<1x64x16xf32, #tpu.memory_space<hbm>>
      %dma_start3A_255 = tpu.memref_squeeze %dma_start3A_254 : memref<1x64x16xf32, #tpu.memory_space<hbm>> -> memref<64x16xf32, #tpu.memory_space<hbm>>
      tpu.enqueue_dma source(%arg8 : memref<64x16xf32, #tpu.memory_space<vmem>>) target(%dma_start3A_255 : memref<64x16xf32, #tpu.memory_space<hbm>>) target_semaphore(%run_scoped3A : memref<!tpu.dma_semaphore, #tpu.memory_space<semaphore_mem>>)
      %dma_wait3A_256 = arith.constant 0 : i32
      %dma_wait3A_257 = arith.constant 0 : i32
      %dma_wait3A_258 = tpu.memref_slice %arg4[%add3A, %dma_wait3A_256, %dma_wait3A_257] : memref<32x64x16xf32, #tpu.memory_space<hbm>> -> memref<1x64x16xf32, #tpu.memory_space<hbm>>
      %dma_wait3A_259 = tpu.memref_squeeze %dma_wait3A_258 : memref<1x64x16xf32, #tpu.memory_space<hbm>> -> memref<64x16xf32, #tpu.memory_space<hbm>>
      %dma_wait3A_260 = arith.constant 0 : i32
      %dma_wait3A_261 = arith.constant 0 : i32
      %dma_wait3A_262 = tpu.memref_slice %arg4[%add3A, %dma_wait3A_260, %dma_wait3A_261] : memref<32x64x16xf32, #tpu.memory_space<hbm>> -> memref<1x64x16xf32, #tpu.memory_space<hbm>>
      %dma_wait3A_263 = tpu.memref_squeeze %dma_wait3A_262 : memref<1x64x16xf32, #tpu.memory_space<hbm>> -> memref<64x16xf32, #tpu.memory_space<hbm>>
      tpu.wait_dma2 semaphore(%run_scoped3A : memref<!tpu.dma_semaphore, #tpu.memory_space<semaphore_mem>>) src(%arg8 : memref<64x16xf32, #tpu.memory_space<vmem>>) dst(%dma_wait3A_263 : memref<64x16xf32, #tpu.memory_space<hbm>>)
      tpu.yield
    }) : () -> ()
    return
  }
}

module attributes {stable_mosaic.version = 14 : i64} {
  func.func @_combine_tc_kernel(%arg0: memref<32x32x32xf32, #tpu.memory_space<vmem>>, %arg1: memref<21x21xf32, #tpu.memory_space<vmem>>, %arg2: memref<21x21xf32, #tpu.memory_space<vmem>>) attributes {dimension_semantics = [], scalar_prefetch = 0 : i64, scratch_operands = 0 : i64, tpu.core_type = #tpu.core_type<tc>} {
    %get3A = arith.constant 0 : index
    %get3A_0 = arith.constant 0 : index
    %get3A_1 = arith.constant 0 : index
    %get3A_2 = vector.load %arg0[%get3A, %get3A_0, %get3A_1] : memref<32x32x32xf32, #tpu.memory_space<vmem>>, vector<32x32x32xf32>
    %reduce_sum3A = arith.constant dense<0.000000e+00> : vector<32x32xf32>
    %reduce_sum3A_3 = vector.multi_reduction <add>, %get3A_2, %reduce_sum3A [0] : vector<32x32x32xf32> to vector<32x32xf32>
    %iota3A = tpu.iota {dimensions = array<i32: 0>} : vector<32x32xi32>
    %eq3A = arith.constant 0 : i32
    %eq3A_4 = vector.broadcast %eq3A : i32 to vector<32x32xi32>
    %eq3A_5 = arith.cmpi eq, %iota3A, %eq3A_4 : vector<32x32xi32>
    %jit3A = arith.constant 0.000000e+00 : f32
    %broadcast_in_dim3A = vector.broadcast %jit3A : f32 to vector<32x32xf32>
    %select_n3A = arith.select %eq3A_5, %broadcast_in_dim3A, %reduce_sum3A_3 : vector<32x32xi1>, vector<32x32xf32>
    %slice3A = vector.extract_strided_slice %select_n3A {offsets = [0, 0], sizes = [21, 21], strides = [1, 1]} : vector<32x32xf32> to vector<21x21xf32>
    %get3A_6 = arith.constant 0 : index
    %get3A_7 = arith.constant 0 : index
    %get3A_8 = vector.load %arg1[%get3A_6, %get3A_7] : memref<21x21xf32, #tpu.memory_space<vmem>>, vector<21x21xf32>
    %add3A = arith.addf %slice3A, %get3A_8 : vector<21x21xf32>
    %swap3A = arith.constant 0 : index
    %swap3A_9 = arith.constant 0 : index
    %swap3A_10 = vector.load %arg2[%swap3A, %swap3A_9] : memref<21x21xf32, #tpu.memory_space<vmem>>, vector<21x21xf32>
    tpu.vector_store %arg2[%swap3A, %swap3A_9], %add3A {strides = array<i32>} : memref<21x21xf32, #tpu.memory_space<vmem>>, vector<21x21xf32>,
    return
  }
}

</mosaic_0001>

<sc_bundles>
// kernel: kernel.4.cloned.1.call-start
scs
__scs_entry_jumppad:
0x0: {  	(pc) =	sbr.rel $0x88, $3  }
0x1: {  	(tag) =	ssettag $0x0;
	lr =	simm.s32 $0x1  }
0x2: {  	[smem:$0x3F9E] =	sst lr;
	_ =	strace $0xD0000000  }
0x3: {  	_ = 	snop  }
0x4: {  	_ = 	snop  }
0x5: {  	_ = 	snop  }
0x6: {  	_ = 	snop  }
0x7: {  	_ = 	snop  }
__scs_overlays_trampoline_lowered:
0x8: {  	[smem:$0x3FAD] =	sst s0  }
0x9: {  	[smem:$0x3FAE] =	sst s1  }
0xa: {  	[smem:$0x3FAF] =	sst s2  }
0xb: {  	[smem:$0x3FB0] =	sst s3  }
0xc: {  	[smem:$0x3FB1] =	sst s4  }
0xd: {  	[smem:$0x3FB2] =	sst s5  }
0xe: {  	[smem:$0x3FB3] =	sst s6  }
0xf: {  	[smem:$0x3FB4] =	sst s7  }
0x10: {  	[smem:$0x3FB5] =	sst s8  }
0x11: {  	[smem:$0x3FB6] =	sst s9;
	s0 =	simm.s32 @!p0 $0x0  }
0x12: {  	s1 =	sld [smem:$0x3F9C];
	s0 =	simm.s32 @p0 $0x1  }
0x13: {  	[smem:$0x3FB7] =	sst s0;
	s0 =	simm.s32 @!p1 $0x0  }
0x14: {  	s2 =	sld [smem:$0x3F9B];
	s0 =	simm.s32 @p1 $0x1  }
0x15: {  	[smem:$0x3FB8] =	sst s0;
	s0 =	simm.s32 @!p2 $0x0  }
0x16: {  	s3 =	sld [smem:$0x3FDB];
	s0 =	simm.s32 @p2 $0x1  }
0x17: {  	s4 =	simm.s32 $0x1BF5;
	[smem:$0x3FBA] =	sst s0  }
0x18: {  	s0 =	sld [smem:$0x3F9D];
	_ =	swait.ge [sflag:s4], $0x0  }
0x19: {  	s7 =	sld [smem:$0x3F9E]  }
0x1a: {  	s8 =	sadd.s32 $0xFFFFE003, lr  }
0x1b: {  	s9 =	sadd.s32 $0xFFFFFEF7, lr;
	s5 =	simm.s32 $0xFFFFFFFF;
	p2 =	slt.u32 s8, $0xFFFFF086  }
0x1c: {  	p1 =	slt.u32 s9, $0xF7A;
	s5 =	simm.s32 @!p2 $0x0  }
0x1d: {  	s5 =	simm.s32 @p1 $0x1;
	p0 =	seq.s32 s7, s2  }
0x1e: {  	s7 =	smul.u32 @!p0 $0xF7A, s2;
	p2 =	seq.s32 @!p0 s5, $0x0  }
0x1f: {  	s9 =	smul.u32 $0xF7A, s1;
	s8 =	simm.s32 @!p0 $0x1BF5;
	p2 =	por !p2, p0  }
0x20: {  	[sflag:s8] =	ssyncset.s32 @!p0 $0xFFFFF086;
	s6 =	sadd.s32 @!p0 s3, s7;
	s7 =	simm.s32 @!p0 $0x108  }
0x21: {  	s3 =	sadd.s32 s3, s9;
	s6 =	sadd.s32 @!p0 $0x88, s6;
	s7 =	simm.s32 @p2 $0x1082  }
0x22: {  	[simem:s7], [sflag:s8] =	dma.local @!p0 [hbm:s6], $0xF7A  }
0x23: {  	s9 =	sor.u32 $0xD0000000, s2;
	s6 =	simm.s32 $0x108;
	_ =	swait.ge @!p0 [sflag:s8], $0x0  }
0x24: {  	s3 =	sadd.s32 $0x88, s3;
	s6 =	simm.s32 @!p1 $0x1082;
	[sflag:s4] =	ssyncset.s32 $0xFFFFF086  }
0x25: {  	[simem:s6], [sflag:s4] =	dma.local [hbm:s3], $0xF7A  }
0x26: {  	[smem:$0x3F9E] =	sst s1;
	(tag) =	ssettag s2;
	_ =	strace s9  }
0x27: {  	s1 =	sld [smem:$0x3FAE]  }
0x28: {  	s2 =	sld [smem:$0x3FAF]  }
0x29: {  	s4 =	sld [smem:$0x3FB1]  }
0x2a: {  	p0 =	seq.s32 s5, $0x0;
	s5 =	sld [smem:$0x3FB2]  }
0x2b: {  	s6 =	sld [smem:$0x3FB3]  }
0x2c: {  	s7 =	sld [smem:$0x3FB4]  }
0x2d: {  	s3 =	simm.s32 $0x108;
	s8 =	sld [smem:$0x3FB5]  }
0x2e: {  	s3 =	simm.s32 @!p0 $0x1082;
	s9 =	sld [smem:$0x3FB6]  }
0x2f: {  	lr =	sadd.s32 s0, s3;
	s0 =	sld [smem:$0x3FAD]  }
0x30: {  	s3 =	sld [smem:$0x3FB0]  }
0x31: {  	[smem:$0x3FB9] =	sst s10  }
0x32: {  	s10 =	sld [smem:$0x3FB7];
	_ =	sdelay $0x3  }
0x33: {  	p0 =	seq.s32 s10, $0x1;
	s10 =	sld [smem:$0x3FB9];
	_ =	sdelay $0x3  }
0x34: {  	[smem:$0x3FB9] =	sst s10  }
0x35: {  	s10 =	sld [smem:$0x3FB8];
	_ =	sdelay $0x3  }
0x36: {  	p1 =	seq.s32 s10, $0x1;
	s10 =	sld [smem:$0x3FB9];
	_ =	sdelay $0x3  }
0x37: {  	[smem:$0x3FB9] =	sst s10  }
0x38: {  	s10 =	sld [smem:$0x3FBA]  }
0x39: {  	_ = 	snop;
	(pc) =	sbr.ind lr, $3  }
0x3a: {  	_ = 	snop  }
0x3b: {  	_ = 	snop  }
0x3c: {  	p2 =	seq.s32 s10, $0x1;
	s10 =	sld [smem:$0x3FB9]  }
0x3d: {  	_ =	shalt  }
0x3e: {  	_ =	shalt  }
0x3f: {  	_ =	shalt  }
0x40: {  	_ =	shalt  }
0x41: {  	_ =	shalt  }
0x42: {  	_ =	shalt  }
0x43: {  	_ =	shalt  }
0x44: {  	_ =	shalt  }
0x45: {  	_ =	shalt  }
0x46: {  	_ =	shalt  }
0x47: {  	_ =	shalt  }
0x48: {  	_ =	shalt  }
0x49: {  	_ =	shalt  }
0x4a: {  	_ =	shalt  }
0x4b: {  	_ =	shalt  }
0x4c: {  	_ =	shalt  }
0x4d: {  	_ =	shalt  }
0x4e: {  	_ =	shalt  }
0x4f: {  	_ =	shalt  }
0x50: {  	_ =	shalt  }
0x51: {  	_ =	shalt  }
0x52: {  	_ =	shalt  }
0x53: {  	_ =	shalt  }
0x54: {  	_ =	shalt  }
0x55: {  	_ =	shalt  }
0x56: {  	_ =	shalt  }
0x57: {  	_ =	shalt  }
0x58: {  	_ =	shalt  }
0x59: {  	_ =	shalt  }
0x5a: {  	_ =	shalt  }
0x5b: {  	_ =	shalt  }
0x5c: {  	_ =	shalt  }
0x5d: {  	_ =	shalt  }
0x5e: {  	_ =	shalt  }
0x5f: {  	_ =	shalt  }
0x60: {  	_ =	shalt  }
0x61: {  	_ =	shalt  }
0x62: {  	_ =	shalt  }
0x63: {  	_ =	shalt  }
0x64: {  	_ =	shalt  }
0x65: {  	_ =	shalt  }
0x66: {  	_ =	shalt  }
0x67: {  	_ =	shalt  }
0x68: {  	_ =	shalt  }
0x69: {  	_ =	shalt  }
0x6a: {  	_ =	shalt  }
0x6b: {  	_ =	shalt  }
0x6c: {  	_ =	shalt  }
0x6d: {  	_ =	shalt  }
0x6e: {  	_ =	shalt  }
0x6f: {  	_ =	shalt  }
0x70: {  	_ =	shalt  }
0x71: {  	_ =	shalt  }
0x72: {  	_ =	shalt  }
0x73: {  	_ =	shalt  }
0x74: {  	_ =	shalt  }
0x75: {  	_ =	shalt  }
0x76: {  	_ =	shalt  }
0x77: {  	_ =	shalt  }
0x78: {  	_ =	shalt  }
0x79: {  	_ =	shalt  }
0x7a: {  	_ =	shalt  }
0x7b: {  	_ =	shalt  }
0x7c: {  	_ =	shalt  }
0x7d: {  	_ =	shalt  }
0x7e: {  	_ =	shalt  }
0x7f: {  	_ =	shalt  }
0x80: {  	_ =	shalt  }
0x81: {  	_ =	shalt  }
0x82: {  	_ =	shalt  }
0x83: {  	_ =	shalt  }
0x84: {  	_ =	shalt  }
0x85: {  	_ =	shalt  }
0x86: {  	_ =	shalt  }
0x87: {  	_ =	shalt  }
.Lfunc_end0:
.L_simem_size_0:
called_computation_lowered:
.L_overlay_start_0:
0x88: {  	s2 =	sld [smem:$0x3FD9]  }
0x89: {  	s3 =	sld [smem:$0x3FFE];
	_ =	sdelay $0x1  }
0x8a: {  	s1 =	srdreg.scid  }
0x8b: {  	s0 =	sand.u32 $0x1, s1  }
0x8c: {  	s17 =	sshll.u32 s0, $0xA;
	s2 =	sadd.s32 s3, s2  }
0x8d: {  	s2 =	sadd.s32 s2, s17  }
0x8e: {  	[smem:$0x3FC5] =	sst s2  }
0x8f: {  	_ = 	snop  }
0x90: {  	s2 =	sld [smem:$0x3FC9]  }
0x91: {  	s18 =	sld [smem:$0x3FC8];
	(tm) =	ssettm $0x1  }
0x92: {  	s4 =	sld [smem:$0x3FFB];
	_ =	sdelay $0x3  }
0x93: {  	_ =	strace s4  }
0x94: {  	s4 =	sld [smem:$0x3FFC];
	_ =	sdelay $0x3  }
0x95: {  	_ =	strace s4  }
0x96: {  	s4 =	sld [smem:$0x3FFD];
	_ =	sdelay $0x3  }
0x97: {  	_ =	strace s4  }
0x98: {  	_ =	strace $0x8FFFFFFF  }
0x99: {  	s19 =	sld [smem:$0x3FDB];
	_ =	sdelay $0x1  }
0x9a: {  	s5 =	simm.s32 $_scs_section_size  }
0x9b: {  	s6 =	simm.s32 $_size__tile_overlayer_lowered;
	s7 =	simm.s32 $_tile_overlayer_lowered  }
0x9c: {  	s22 =	simm.s32 $0x1BFF;
	s21 =	sshll.u32 s7, $0x1;
	s4 =	sadd.s32 s5, s19  }
0x9d: {  	s8 =	simm.s32 $0x0;
	s20 =	sshll.u32 s6, $0x1;
	s6 =	sadd.s32 s21, s4  }
0x9e: {  	[timem:s8], [sflag:s22] =	dma.local [hbm:s6], s20  }
0x9f: {  	_ =	swait.ge [sflag:s22], s20  }
0xa0: {  	s5 =	ssub.s32 $0x0, s20;
	[sflag:s22] =	ssyncset.done $0x0  }
0xa1: {  	[sflag:s22] =	ssyncadd.s32 s5;
	_ =	sdelay $0x1  }
0xa2: {  	s23 =	simm.s32 $0x1B8B  }
0xa3: {  	_ =	swait.ge [sflag:s23], $0x1  }
0xa4: {  	[sflag:s23] =	ssyncset.done $0x0  }
0xa5: {  	s25 =	simm.s32 $0x1B8E;
	s24 =	sld [smem:$0x3FFE];
	[sflag:s23] =	ssyncadd.s32 $0xFFFFFFFF  }
0xa6: {  	s26 =	simm.s32 $execute0_lowered;
	[smem:$0x3FD2] =	sst s25  }
0xa7: {  	s6 =	sshll.u32 s26, $0x1;
	_ =	strace $0x80000046;
	[dreg:$0x1] =	wrdreg $0xFFFFFFFF  }
0xa8: {  	s28 =	simm.s32 $_size_execute0_lowered;
	s4 =	sadd.s32 s4, s6;
	[dreg:$0x0] =	wrdreg $0x0  }
0xa9: {  	s6 =	sshll.u32 s28, $0x1;
	[dreg:$0x2] =	wrdreg s4  }
0xaa: {  	[dreg:$0x3] =	wrdreg s6  }
0xab: {  	[dreg:$0x4] =	wrdreg $0xC0  }
0xac: {  	_ =	task [dreg:s8], $0x5FFFF  }
0xad: {  	[dreg:$0x1] =	wrdreg $0xFFFFFFFF  }
0xae: {  	[dreg:$0x0] =	wrdreg $0x60  }
0xaf: {  	[dreg:$0x2] =	wrdreg s2  }
0xb0: {  	[dreg:$0x3] =	wrdreg s18  }
0xb1: {  	[dreg:$0x4] =	wrdreg s24  }
0xb2: {  	[dreg:$0x5] =	wrdreg $0x9  }
0xb3: {  	_ =	task.clear_ibuf [dreg:s8], $0x6FFFF;
	_ =	strace $0x90000046  }
0xb4: {  	s29 =	simm.s32 $0x9;
	_ =	strace $0x80000048  }
0xb5: {  	_ =	swait.ge [sflag:s29], $0x1  }
0xb6: {  	[sflag:s29] =	ssyncadd.s32 $0xFFFFFFFF  }
0xb7: {  	_ =	strace $0x90000048  }
0xb8: {  	_ =	sfence  }
0xb9: {  	s30 =	sld [smem:$0x0];
	_ =	sdelay $0x2  }
0xba: {  	s31 =	sshll.u32 s1, $0xD;
	s1 =	sshrl.u32 s1, $0x2  }
0xbb: {  	s3 =	sand.u32 $0x4000, s31;
	s1 =	sadd.s32 s1, s30  }
0xbc: {  	s0 =	sor.u32 s3, s0;
	s1 =	sshll.u32 s1, $0x11  }
0xbd: {  	s0 =	sor.u32 s1, s0  }
0xbe: {  	s0 =	sadd.s32 $0x8F2B, s0  }
0xbf: {  	[sflag:s0] =	ssyncadd.remote.s32 $0x1  }
0xc0: {  	_ =	sfence.sel $0xFFFF  }
0xc1: {  	[dreg:$0x0] =	wrdreg $0xFFFFFFFF;
	(pc) =	sbr.abs _section_cstart, $3  }
0xc2: {  	[dreg:$0x1] =	wrdreg $0xFFFFFFFF  }
0xc3: {  	_ =	task.clear_ibuf [dreg:s8], $0x2FFFF;
	_ =	strace $0x9FFFFFFF  }
0xc4: {  	(tm) =	ssettm $0x7FFFFFFF  }
0xc5: {  	_ =	shalt  }
tec
execute0_lowered:
.L_overlay_start_1:
0x0: {  	(tag) =	ssettag $0x1  }
0x1: {  	s9 =	rddreg [dreg:$0x0]  }
0x2: {  	s10 =	rddreg [dreg:$0x1]  }
0x3: {  	s3 =	rddreg [dreg:$0x2];
	s2 =	simm.s32 $0x0;
	s4 =	srdreg.scid  }
0x4: {  	s0 =	stileid.u32;
	s15 =	simm.s32 $0x6000;
	s16 =	simm.s32 $0x1  }
0x5: {  	s17 =	simm.s32 $0x8000;
	s18 =	simm.s32 $0x2;
	s20 =	simm.s32 $0x3  }
0x6: {  	s21 =	simm.s32 $0x0;
	s4 =	sand.u32 $0x1, s4;
	s5 =	sshll.u32 s0, $0x1  }
0x7: {  	[smem:$0x7FF] =	sst s2;
	s5 =	sor.u32 s4, s5;
	s4 =	ssub.s32 $0x2, s4  }
0x8: {  	_ =	strace $0x80000047;
	s6 =	sshll.u32 s5, $0xA;
	s7 =	sshrl.u32 s4, $0x1  }
0x9: {  	s8 =	sshll.u32 s5, $0xC;
	s11 =	sadd.s32 s6, s3;
	s12 =	ssub.s32 s4, s7  }
0xa: {  	s31 =	sor.u32 $0x400, s8;
	s3 =	sadd.s32 s9, s8;
	s4 =	sadd.s32 s10, s8  }
0xb: {  	s13 =	sor.u32 $0x800, s8;
	s14 =	sor.u32 $0xC00, s8;
	s5 =	sadd.s32 s9, s31  }
0xc: {  	s6 =	sadd.s32 s10, s31;
	s7 =	sadd.s32 s9, s13;
	s8 =	sadd.s32 s10, s13  }
0xd: {  	v1 =	vlaneseq.u32;
	s9 =	sadd.s32 s9, s14;
	s10 =	sadd.s32 s10, s14;
	s11 =	sadd.s32 $0x600, s11  }
0xe: {  	v0 =	vimm.f32 $0.0e+00;
	v2 =	vimm.f32 $1.000000000e+00;
	v1 =	vmul.u32 $0x400, v1;
	s12 =	smax.u32 s12, $0x1;
	s13 =	simm.s32 $0x4000;
	s14 =	simm.s32 $0x2000  }
.LBB2_1:
0xf: {  	[tilespmem:s2], [sflag:$0x1] =	stream.linear.gather [hbm4b:s3+s2], $0x2000, $0x38;
	[tilespmem:$0xE000] =	vst v63  }
0x10: {  	s22 =	simm.s32 $0x8040  }
0x11: {  	[tilespmem:s13], [sflag:$0x1] =	stream.linear.gather [hbm4b:s4+s2], $0x2000, $0x38;
	[tilespmem:$0xE000] =	vst v63  }
0x12: {  	[tilespmem:s22+$0xFFFFFFC0] =	vst v0  }
0x13: {  	[tilespmem:s22+$0x30] =	vst v0  }
0x14: {  	[tilespmem:s22+$0x20] =	vst v0  }
0x15: {  	[tilespmem:s22+$0x10] =	vst v0  }
0x16: {  	[tilespmem:s22+$0x0] =	vst v0  }
0x17: {  	[tilespmem:s22+$0xFFFFFFF0] =	vst v0  }
0x18: {  	s23 =	simm.s32 $0x0;
	[tilespmem:s22+$0xFFFFFFE0] =	vst v0  }
.LBB2_2:
0x19: {  	s23 =	sadd.s32 $0x8, s23;
	[tilespmem:s22+$0xFFFFFFD0] =	vst v0;
	s22 =	sadd.s32 $0x80, s22  }
0x1a: {  	[tilespmem:s22+$0xFFFFFFC0] =	vst v0;
	p0 =	slt.u32 s23, $0x3F8  }
0x1b: {  	[tilespmem:s22+$0x30] =	vst v0  }
.Ltmp0:
0x1c: {  	[tilespmem:s22+$0x20] =	vst v0;
	(pc) =	sbr.rel @p0 .LBB2_2-.Ltmp0, $4  }
0x1d: {  	[tilespmem:s22+$0x10] =	vst v0  }
0x1e: {  	[tilespmem:s22+$0x0] =	vst v0  }
0x1f: {  	[tilespmem:s22+$0xFFFFFFF0] =	vst v0  }
0x20: {  	[tilespmem:s22+$0xFFFFFFE0] =	vst v0  }
0x21: {  	[tilespmem:s22+$0xFFFFFFD0] =	vst v0;
	s31 =	simm.s32 $0x0  }
0x22: {  	[tilespmem:s14], [sflag:$0x2] =	stream.linear.gather [hbm4b:s5+s31], $0x2000, $0x38;
	[tilespmem:$0xE000] =	vst v63  }
0x23: {  	_ = 	snop  }
0x24: {  	[tilespmem:s15], [sflag:$0x2] =	stream.linear.gather [hbm4b:s6+s31], $0x2000, $0x38;
	[tilespmem:$0xE000] =	vst v63  }
0x25: {  	_ =	swait.ge [sflag:s16], $0x2000  }
0x26: {  	[sflag:s16] =	ssyncset.done $0x0  }
0x27: {  	[sflag:s16] =	ssyncadd.s32 $0xFFFFE000  }
0x28: {  	s23 =	sand.u32 $0x1000, s31;
	s24 =	sand.u32 $0x800, s31;
	_ =	swait.ge [sflag:s16], $0x2000  }
0x29: {  	s22 =	sand.u32 $0x380, s31;
	s23 =	sor.u32 s24, s23;
	[sflag:s16] =	ssyncset.done $0x0  }
0x2a: {  	s22 =	sor.u32 s22, s23;
	[sflag:s16] =	ssyncadd.s32 $0xFFFFE000  }
0x2b: {  	v3 =	vld [tilespmem:s22+$0x470]  }
0x2c: {  	v4 =	vld [tilespmem:s22+$0x4470]  }
0x2d: {  	v5 =	vld [tilespmem:s22+$0x0]  }
0x2e: {  	v6 =	vld [tilespmem:s22+$0x10]  }
0x2f: {  	v7 =	vld [tilespmem:s22+$0x20]  }
0x30: {  	v8 =	vld [tilespmem:s22+$0x30]  }
0x31: {  	v9 =	vld [tilespmem:s22+$0x40]  }
0x32: {  	v10 =	vld [tilespmem:s22+$0x60]  }
0x33: {  	v11 =	vld [tilespmem:s22+$0x70]  }
0x34: {  	v12 =	vld [tilespmem:s22+$0x400]  }
0x35: {  	v13 =	vld [tilespmem:s22+$0x410]  }
0x36: {  	v14 =	vld [tilespmem:s22+$0x4000]  }
0x37: {  	v15 =	vld [tilespmem:s22+$0x430]  }
0x38: {  	v16 =	vld [tilespmem:s22+$0x4010]  }
0x39: {  	v17 =	vld [tilespmem:s22+$0x440]  }
0x3a: {  	v18 =	vld [tilespmem:s22+$0x450]  }
0x3b: {  	v19 =	vld [tilespmem:s22+$0x460]  }
0x3c: {  	v54 =	vld [tilespmem:s22+$0x4020]  }
0x3d: {  	v20 =	vld [tilespmem:s22+$0x4030]  }
0x3e: {  	v55 =	vld [tilespmem:s22+$0x4040];
	v3 =	vshll.u32 v3, $0x5  }
0x3f: {  	v21 =	vld [tilespmem:s22+$0x4050];
	v3 =	vadd.s32 v3, v4  }
0x40: {  	v22 =	vld [tilespmem:s22+$0x4060];
	v5 =	vshll.u32 v5, $0x5;
	v3 =	vadd.s32 v1, v3  }
0x41: {  	v56 =	vld [tilespmem:s22+$0x4410];
	v5 =	vadd.s32 v5, v14  }
0x42: {  	v57 =	vld [tilespmem:s22+$0x4420];
	v6 =	vshll.u32 v6, $0x5;
	v5 =	vadd.s32 v1, v5  }
0x43: {  	v58 =	vld [tilespmem:s22+$0x4430];
	v6 =	vadd.s32 v6, v16  }
0x44: {  	v4 =	vld [tilespmem:s22+$0x50];
	v6 =	vadd.s32 v1, v6  }
0x45: {  	[tilespmem:v3+s17+$0x0] =	vst.idx.add.f32.msk $0xffff, v2  }
0x46: {  	v3 =	vld [tilespmem:s22+$0x420]  }
0x47: {  	v8 =	vshll.u32 v8, $0x5;
	[tilespmem:v5+s17+$0x0] =	vst.idx.add.f32.msk $0xffff, v2  }
0x48: {  	v9 =	vshll.u32 v9, $0x5;
	v8 =	vadd.s32 v8, v20;
	v5 =	vld [tilespmem:s22+$0x4070]  }
0x49: {  	v9 =	vadd.s32 v9, v55;
	v8 =	vadd.s32 v1, v8;
	[tilespmem:v6+s17+$0x0] =	vst.idx.add.f32.msk $0xffff, v2;
	v6 =	vshll.u32 v7, $0x5  }
0x4a: {  	v9 =	vadd.s32 v1, v9;
	v7 =	vld [tilespmem:s22+$0x4400];
	v6 =	vadd.s32 v6, v54  }
0x4b: {  	v59 =	vld [tilespmem:s22+$0x4440];
	v10 =	vshll.u32 v10, $0x5;
	v6 =	vadd.s32 v1, v6  }
0x4c: {  	v60 =	vld [tilespmem:s22+$0x4450];
	v11 =	vshll.u32 v11, $0x5;
	v10 =	vadd.s32 v10, v22;
	v4 =	vshll.u32 v4, $0x5  }
0x4d: {  	v61 =	vld [tilespmem:s22+$0x4460];
	v12 =	vshll.u32 v12, $0x5;
	v10 =	vadd.s32 v1, v10;
	v4 =	vadd.s32 v4, v21  }
0x4e: {  	v13 =	vshll.u32 v13, $0x5;
	[tilespmem:v8+s17+$0x0] =	vst.idx.add.f32.msk $0xffff, v2;
	v4 =	vadd.s32 v1, v4;
	v5 =	vadd.s32 v11, v5  }
0x4f: {  	[tilespmem:v9+s17+$0x0] =	vst.idx.add.f32.msk $0xffff, v2;
	v7 =	vadd.s32 v12, v7;
	v3 =	vshll.u32 v3, $0x5;
	v5 =	vadd.s32 v1, v5  }
0x50: {  	v62 =	vshll.u32 v15, $0x5;
	v3 =	vadd.s32 v3, v57;
	[tilespmem:v6+s17+$0x0] =	vst.idx.add.f32.msk $0xffff, v2;
	v6 =	vadd.s32 v1, v7  }
0x51: {  	v7 =	vadd.s32 v13, v56;
	v63 =	vadd.s32 v1, v3;
	v3 =	vadd.s32 v62, v58  }
0x52: {  	[tilespmem:v10+s17+$0x0] =	vst.idx.add.f32.msk $0xffff, v2;
	v7 =	vadd.s32 v1, v7;
	v8 =	vadd.s32 v1, v3;
	v3 =	vshll.u32 v17, $0x5  }
0x53: {  	[tilespmem:v4+s17+$0x0] =	vst.idx.add.f32.msk $0xffff, v2;
	v4 =	vshll.u32 v18, $0x5;
	v3 =	vadd.s32 v3, v59  }
0x54: {  	v4 =	vadd.s32 v4, v60;
	v3 =	vadd.s32 v1, v3;
	[tilespmem:v5+s17+$0x0] =	vst.idx.add.f32.msk $0xffff, v2;
	v5 =	vshll.u32 v19, $0x5  }
0x55: {  	v4 =	vadd.s32 v1, v4;
	[tilespmem:v6+s17+$0x0] =	vst.idx.add.f32.msk $0xffff, v2;
	v5 =	vadd.s32 v5, v61  }
0x56: {  	[tilespmem:v63+s17+$0x0] =	vst.idx.add.f32.msk $0xffff, v2;
	v5 =	vadd.s32 v1, v5  }
0x57: {  	s25 =	simm.s32 $0x100;
	[tilespmem:v7+s17+$0x0] =	vst.idx.add.f32.msk $0xffff, v2  }
0x58: {  	s24 =	simm.s32 $0x800;
	s23 =	simm.s32 $0x40;
	s22 =	simm.s32 $0x0;
	[tilespmem:v8+s17+$0x0] =	vst.idx.add.f32.msk $0xffff, v2  }
.LBB2_4:
0x59: {  	s26 =	sand.u32 $0x1000, s25;
	s28 =	sand.u32 $0x800, s24;
	s22 =	sadd.s32 $0x10, s22;
	[tilespmem:v3+s17+$0x0] =	vst.idx.add.f32.msk $0xffff, v2  }
0x5a: {  	s26 =	sor.u32 s28, s26;
	s28 =	sand.u32 $0x380, s23;
	p0 =	slt.u32 s22, $0x1F0;
	[tilespmem:v4+s17+$0x0] =	vst.idx.add.f32.msk $0xffff, v2  }
0x5b: {  	s26 =	sor.u32 s28, s26;
	[tilespmem:v5+s17+$0x0] =	vst.idx.add.f32.msk $0xffff, v2  }
0x5c: {  	v3 =	vld [tilespmem:s26+$0x470]  }
0x5d: {  	v4 =	vld [tilespmem:s26+$0x4470]  }
0x5e: {  	v5 =	vld [tilespmem:s26+$0x0]  }
0x5f: {  	v6 =	vld [tilespmem:s26+$0x10]  }
0x60: {  	v7 =	vld [tilespmem:s26+$0x20]  }
0x61: {  	v8 =	vld [tilespmem:s26+$0x30];
	v3 =	vshll.u32 v3, $0x5  }
0x62: {  	v9 =	vld [tilespmem:s26+$0x40];
	v3 =	vadd.s32 v3, v4  }
0x63: {  	v4 =	vshll.u32 v5, $0x5;
	v5 =	vld [tilespmem:s26+$0x50];
	v3 =	vadd.s32 v1, v3  }
0x64: {  	v6 =	vshll.u32 v6, $0x5;
	v10 =	vld [tilespmem:s26+$0x60]  }
0x65: {  	v7 =	vshll.u32 v7, $0x5;
	v11 =	vld [tilespmem:s26+$0x70]  }
0x66: {  	v8 =	vshll.u32 v8, $0x5;
	v12 =	vld [tilespmem:s26+$0x400]  }
0x67: {  	v9 =	vshll.u32 v9, $0x5;
	v13 =	vld [tilespmem:s26+$0x410]  }
0x68: {  	v5 =	vshll.u32 v5, $0x5;
	[tilespmem:v3+s17+$0x0] =	vst.idx.add.f32.msk $0xffff, v2  }
0x69: {  	v3 =	vshll.u32 v10, $0x5;
	v10 =	vld [tilespmem:s26+$0x420]  }
0x6a: {  	v11 =	vshll.u32 v11, $0x5;
	v14 =	vld [tilespmem:s26+$0x430]  }
0x6b: {  	v12 =	vshll.u32 v12, $0x5;
	v15 =	vld [tilespmem:s26+$0x440]  }
0x6c: {  	v13 =	vshll.u32 v13, $0x5;
	v16 =	vld [tilespmem:s26+$0x450]  }
0x6d: {  	v17 =	vld [tilespmem:s26+$0x460]  }
0x6e: {  	v18 =	vld [tilespmem:s26+$0x4000];
	v10 =	vshll.u32 v10, $0x5  }
0x6f: {  	v19 =	vld [tilespmem:s26+$0x4010];
	v14 =	vshll.u32 v14, $0x5  }
0x70: {  	v20 =	vld [tilespmem:s26+$0x4020];
	v15 =	vshll.u32 v15, $0x5  }
0x71: {  	v21 =	vld [tilespmem:s26+$0x4030];
	v16 =	vshll.u32 v16, $0x5  }
0x72: {  	v22 =	vld [tilespmem:s26+$0x4040];
	v17 =	vshll.u32 v17, $0x5  }
0x73: {  	v4 =	vadd.s32 v4, v18;
	v18 =	vld [tilespmem:s26+$0x4050]  }
0x74: {  	v4 =	vadd.s32 v1, v4;
	v6 =	vadd.s32 v6, v19;
	v19 =	vld [tilespmem:s26+$0x4060]  }
0x75: {  	v6 =	vadd.s32 v1, v6;
	v7 =	vadd.s32 v7, v20;
	v20 =	vld [tilespmem:s26+$0x4070]  }
0x76: {  	v7 =	vadd.s32 v1, v7;
	v8 =	vadd.s32 v8, v21;
	v21 =	vld [tilespmem:s26+$0x4400]  }
0x77: {  	v8 =	vadd.s32 v1, v8;
	v9 =	vadd.s32 v9, v22;
	v22 =	vld [tilespmem:s26+$0x4410]  }
0x78: {  	v9 =	vadd.s32 v1, v9;
	v5 =	vadd.s32 v5, v18;
	v18 =	vld [tilespmem:s26+$0x4420]  }
0x79: {  	v5 =	vadd.s32 v1, v5;
	v3 =	vadd.s32 v3, v19;
	v19 =	vld [tilespmem:s26+$0x4430]  }
0x7a: {  	v23 =	vadd.s32 v1, v3;
	v3 =	vadd.s32 v11, v20;
	v11 =	vld [tilespmem:s26+$0x4440]  }
0x7b: {  	v20 =	vadd.s32 v1, v3;
	v3 =	vadd.s32 v12, v21;
	v12 =	vld [tilespmem:s26+$0x4450]  }
0x7c: {  	v21 =	vadd.s32 v1, v3;
	v3 =	vadd.s32 v13, v22;
	v13 =	vld [tilespmem:s26+$0x4460]  }
0x7d: {  	[tilespmem:v4+s17+$0x0] =	vst.idx.add.f32.msk $0xffff, v2;
	v22 =	vadd.s32 v1, v3;
	v3 =	vadd.s32 v10, v18  }
0x7e: {  	[tilespmem:v6+s17+$0x0] =	vst.idx.add.f32.msk $0xffff, v2;
	v6 =	vadd.s32 v1, v3;
	v3 =	vadd.s32 v14, v19  }
0x7f: {  	[tilespmem:v7+s17+$0x0] =	vst.idx.add.f32.msk $0xffff, v2;
	v7 =	vadd.s32 v1, v3;
	v3 =	vadd.s32 v15, v11  }
0x80: {  	[tilespmem:v8+s17+$0x0] =	vst.idx.add.f32.msk $0xffff, v2;
	v3 =	vadd.s32 v1, v3;
	v4 =	vadd.s32 v16, v12  }
0x81: {  	[tilespmem:v9+s17+$0x0] =	vst.idx.add.f32.msk $0xffff, v2;
	v4 =	vadd.s32 v1, v4;
	v8 =	vadd.s32 v17, v13  }
0x82: {  	[tilespmem:v5+s17+$0x0] =	vst.idx.add.f32.msk $0xffff, v2;
	v5 =	vadd.s32 v1, v8  }
0x83: {  	[tilespmem:v23+s17+$0x0] =	vst.idx.add.f32.msk $0xffff, v2  }
.Ltmp1:
0x84: {  	[tilespmem:v20+s17+$0x0] =	vst.idx.add.f32.msk $0xffff, v2;
	(pc) =	sbr.rel @p0 .LBB2_4-.Ltmp1, $4  }
0x85: {  	[tilespmem:v21+s17+$0x0] =	vst.idx.add.f32.msk $0xffff, v2  }
0x86: {  	[tilespmem:v22+s17+$0x0] =	vst.idx.add.f32.msk $0xffff, v2  }
0x87: {  	[tilespmem:v6+s17+$0x0] =	vst.idx.add.f32.msk $0xffff, v2  }
0x88: {  	s24 =	sadd.s32 $0x800, s24;
	s25 =	sadd.s32 $0x100, s25;
	s23 =	sadd.s32 $0x40, s23;
	[tilespmem:v7+s17+$0x0] =	vst.idx.add.f32.msk $0xffff, v2  }
0x89: {  	_ =	sdelay $0x3  }
0x8a: {  	[tilespmem:v3+s17+$0x0] =	vst.idx.add.f32.msk $0xffff, v2  }
0x8b: {  	[tilespmem:v4+s17+$0x0] =	vst.idx.add.f32.msk $0xffff, v2  }
0x8c: {  	[tilespmem:v5+s17+$0x0] =	vst.idx.add.f32.msk $0xffff, v2;
	s22 =	simm.s32 $0x0  }
0x8d: {  	[tilespmem:s22], [sflag:$0x1] =	stream.linear.gather [hbm4b:s7+s22], $0x2000, $0x38;
	[tilespmem:$0xE000] =	vst v63  }
0x8e: {  	_ = 	snop  }
0x8f: {  	[tilespmem:s13], [sflag:$0x1] =	stream.linear.gather [hbm4b:s8+s22], $0x2000, $0x38;
	[tilespmem:$0xE000] =	vst v63  }
0x90: {  	_ =	swait.ge [sflag:s18], $0x2000  }
0x91: {  	p0 =	por $0x0, $0x0;
	s23 =	simm.s32 $0x1;
	[sflag:s18] =	ssyncset.done $0x0  }
0x92: {  	s24 =	sand.u32 $0xFFFFF000, s22;
	s23 =	simm.s32 @!p0 $0x0;
	[sflag:s18] =	ssyncadd.s32 $0xFFFFE000  }
0x93: {  	s24 =	sadd.s32 $0x0, s24;
	s23 =	sshll.u32 s23, $0xB;
	_ =	swait.ge [sflag:s18], $0x2000  }
0x94: {  	s23 =	sadd.s32 s23, s24;
	[sflag:s18] =	ssyncset.done $0x0  }
0x95: {  	s24 =	sor.u32 $0x2470, s23;
	[sflag:s18] =	ssyncadd.s32 $0xFFFFE000  }
0x96: {  	v3 =	vld [tilespmem:s24+$0x0]  }
0x97: {  	s25 =	sor.u32 $0x2440, s23;
	v4 =	vld [tilespmem:s24+$0x4000]  }
0x98: {  	s28 =	sor.u32 $0x2450, s23;
	v5 =	vld [tilespmem:s25+$0x0]  }
0x99: {  	s23 =	sor.u32 $0x2460, s23;
	v6 =	vld [tilespmem:s28+$0x0]  }
0x9a: {  	v7 =	vld [tilespmem:s23+$0x0]  }
0x9b: {  	s31 =	sand.u32 $0x800, s22;
	s26 =	sand.u32 $0x1000, s22;
	v15 =	vld [tilespmem:s25+$0x4000]  }
0x9c: {  	s29 =	sand.u32 $0x380, s22;
	s24 =	sor.u32 s31, s26;
	v19 =	vld [tilespmem:s28+$0x4000]  }
0x9d: {  	v20 =	vld [tilespmem:s23+$0x4000];
	s24 =	sor.u32 s29, s24  }
0x9e: {  	v8 =	vld [tilespmem:s24+$0x2000]  }
0x9f: {  	v9 =	vld [tilespmem:s24+$0x2010]  }
0xa0: {  	v10 =	vld [tilespmem:s24+$0x2030]  }
0xa1: {  	v11 =	vld [tilespmem:s24+$0x2040]  }
0xa2: {  	v12 =	vld [tilespmem:s24+$0x2050]  }
0xa3: {  	v13 =	vld [tilespmem:s24+$0x2060]  }
0xa4: {  	v14 =	vld [tilespmem:s24+$0x2400]  }
0xa5: {  	v16 =	vld [tilespmem:s24+$0x2410]  }
0xa6: {  	v17 =	vld [tilespmem:s24+$0x2420]  }
0xa7: {  	v18 =	vld [tilespmem:s24+$0x2430]  }
0xa8: {  	v55 =	vld [tilespmem:s24+$0x6000]  }
0xa9: {  	v21 =	vld [tilespmem:s24+$0x6010]  }
0xaa: {  	v22 =	vld [tilespmem:s24+$0x6020]  }
0xab: {  	v23 =	vld [tilespmem:s24+$0x6030];
	v3 =	vshll.u32 v3, $0x5  }
0xac: {  	v24 =	vld [tilespmem:s24+$0x6040];
	v5 =	vshll.u32 v5, $0x5;
	v3 =	vadd.s32 v3, v4  }
0xad: {  	v56 =	vld [tilespmem:s24+$0x6060];
	v5 =	vadd.s32 v5, v15;
	v3 =	vadd.s32 v1, v3  }
0xae: {  	v57 =	vld [tilespmem:s24+$0x6070];
	v5 =	vadd.s32 v1, v5  }
0xaf: {  	v58 =	vld [tilespmem:s24+$0x6400]  }
0xb0: {  	v4 =	vld [tilespmem:s24+$0x2020]  }
0xb1: {  	v60 =	vld [tilespmem:s24+$0x6420];
	v8 =	vshll.u32 v8, $0x5;
	v9 =	vshll.u32 v9, $0x5  }
0xb2: {  	v10 =	vshll.u32 v10, $0x5;
	v11 =	vshll.u32 v11, $0x5;
	v8 =	vadd.s32 v8, v55;
	[tilespmem:v3+s17+$0x0] =	vst.idx.add.f32.msk $0xffff, v2  }
0xb3: {  	v9 =	vadd.s32 v9, v21;
	v8 =	vadd.s32 v1, v8;
	[tilespmem:v5+s17+$0x0] =	vst.idx.add.f32.msk $0xffff, v2;
	v5 =	vshll.u32 v6, $0x5  }
0xb4: {  	v9 =	vadd.s32 v1, v9;
	v6 =	vshll.u32 v7, $0x5;
	v7 =	vld [tilespmem:s24+$0x6050];
	v5 =	vadd.s32 v5, v19  }
0xb5: {  	v4 =	vshll.u32 v4, $0x5;
	v3 =	vld [tilespmem:s24+$0x2070];
	v6 =	vadd.s32 v6, v20;
	v5 =	vadd.s32 v1, v5  }
0xb6: {  	v59 =	vld [tilespmem:s24+$0x6410];
	v10 =	vadd.s32 v10, v23;
	v4 =	vadd.s32 v4, v22;
	v6 =	vadd.s32 v1, v6  }
0xb7: {  	v10 =	vadd.s32 v1, v10;
	v61 =	vadd.s32 v1, v4;
	v4 =	vadd.s32 v11, v24;
	v11 =	vld [tilespmem:s24+$0x6430]  }
0xb8: {  	v12 =	vshll.u32 v12, $0x5;
	v13 =	vshll.u32 v13, $0x5;
	v62 =	vadd.s32 v1, v4;
	[tilespmem:v8+s17+$0x0] =	vst.idx.add.f32.msk $0xffff, v2  }
0xb9: {  	v4 =	vadd.s32 v13, v56;
	[tilespmem:v9+s17+$0x0] =	vst.idx.add.f32.msk $0xffff, v2;
	v8 =	vshll.u32 v17, $0x5;
	v7 =	vadd.s32 v12, v7  }
0xba: {  	v8 =	vadd.s32 v8, v60;
	v3 =	vshll.u32 v3, $0x5;
	v63 =	vadd.s32 v1, v7;
	[tilespmem:v5+s17+$0x0] =	vst.idx.add.f32.msk $0xffff, v2  }
0xbb: {  	[tilespmem:v6+s17+$0x0] =	vst.idx.add.f32.msk $0xffff, v2;
	v5 =	vshll.u32 v14, $0x5;
	v6 =	vadd.s32 v3, v57;
	v3 =	vadd.s32 v1, v4  }
0xbc: {  	[tilespmem:v10+s17+$0x0] =	vst.idx.add.f32.msk $0xffff, v2;
	v7 =	vshll.u32 v16, $0x5;
	v4 =	vadd.s32 v1, v6;
	v5 =	vadd.s32 v5, v58  }
0xbd: {  	[tilespmem:v61+s17+$0x0] =	vst.idx.add.f32.msk $0xffff, v2;
	v6 =	vadd.s32 v7, v59;
	v7 =	vshll.u32 v18, $0x5;
	v5 =	vadd.s32 v1, v5  }
0xbe: {  	[tilespmem:v62+s17+$0x0] =	vst.idx.add.f32.msk $0xffff, v2;
	v6 =	vadd.s32 v1, v6;
	v7 =	vadd.s32 v7, v11  }
0xbf: {  	s23 =	simm.s32 $0x0;
	s25 =	simm.s32 $0x0;
	s24 =	simm.s32 $0x800;
	v8 =	vadd.s32 v1, v8;
	v7 =	vadd.s32 v1, v7;
	[tilespmem:v63+s17+$0x0] =	vst.idx.add.f32.msk $0xffff, v2  }
.LBB2_6:
0xc0: {  	s26 =	sand.u32 $0x800, s24;
	[tilespmem:v3+s17+$0x0] =	vst.idx.add.f32.msk $0xffff, v2;
	s22 =	sadd.s32 $0x40, s22  }
0xc1: {  	s25 =	sadd.s32 $0x100, s25;
	p0 =	por !p0, !p0;
	s29 =	simm.s32 $0x1;
	[tilespmem:v4+s17+$0x0] =	vst.idx.add.f32.msk $0xffff, v2  }
0xc2: {  	s23 =	sadd.s32 $0x10, s23;
	s28 =	sand.u32 $0xFFFFF000, s25;
	s29 =	simm.s32 @!p0 $0x0;
	[tilespmem:v5+s17+$0x0] =	vst.idx.add.f32.msk $0xffff, v2  }
0xc3: {  	p1 =	slt.u32 s23, $0x1F0;
	s28 =	sadd.s32 s28, s22;
	s29 =	sshll.u32 s29, $0xB;
	[tilespmem:v6+s17+$0x0] =	vst.idx.add.f32.msk $0xffff, v2  }
0xc4: {  	s30 =	sand.u32 $0x380, s22;
	s28 =	sadd.s32 s29, s28;
	s29 =	sand.u32 $0x1000, s25;
	[tilespmem:v8+s17+$0x0] =	vst.idx.add.f32.msk $0xffff, v2  }
0xc5: {  	s26 =	sor.u32 s26, s29;
	s29 =	sor.u32 $0x2440, s28;
	s31 =	sor.u32 $0x2470, s28;
	[tilespmem:v7+s17+$0x0] =	vst.idx.add.f32.msk $0xffff, v2  }
0xc6: {  	s26 =	sor.u32 s30, s26;
	s30 =	sor.u32 $0x2450, s28;
	s28 =	sor.u32 $0x2460, s28;
	v3 =	vld [tilespmem:s31+$0x0]  }
0xc7: {  	v4 =	vld [tilespmem:s31+$0x4000]  }
0xc8: {  	v5 =	vld [tilespmem:s29+$0x0]  }
0xc9: {  	v6 =	vld [tilespmem:s30+$0x0]  }
0xca: {  	v7 =	vld [tilespmem:s28+$0x0]  }
0xcb: {  	v8 =	vld [tilespmem:s26+$0x2000];
	v3 =	vshll.u32 v3, $0x5  }
0xcc: {  	v9 =	vld [tilespmem:s26+$0x2010];
	v3 =	vadd.s32 v3, v4  }
0xcd: {  	v4 =	vld [tilespmem:s26+$0x2020];
	v5 =	vshll.u32 v5, $0x5;
	v3 =	vadd.s32 v1, v3  }
0xce: {  	v10 =	vld [tilespmem:s26+$0x2030];
	v6 =	vshll.u32 v6, $0x5  }
0xcf: {  	v11 =	vld [tilespmem:s26+$0x2040];
	v7 =	vshll.u32 v7, $0x5  }
0xd0: {  	v8 =	vshll.u32 v8, $0x5;
	v12 =	vld [tilespmem:s26+$0x2050]  }
0xd1: {  	v9 =	vshll.u32 v9, $0x5;
	v13 =	vld [tilespmem:s26+$0x2060]  }
0xd2: {  	v4 =	vshll.u32 v4, $0x5;
	[tilespmem:v3+s17+$0x0] =	vst.idx.add.f32.msk $0xffff, v2  }
0xd3: {  	v3 =	vshll.u32 v10, $0x5;
	v10 =	vld [tilespmem:s26+$0x2070]  }
0xd4: {  	v11 =	vshll.u32 v11, $0x5;
	v14 =	vld [tilespmem:s26+$0x2400]  }
0xd5: {  	v12 =	vshll.u32 v12, $0x5;
	v15 =	vld [tilespmem:s26+$0x2410]  }
0xd6: {  	v13 =	vshll.u32 v13, $0x5;
	v16 =	vld [tilespmem:s26+$0x2420]  }
0xd7: {  	v17 =	vld [tilespmem:s26+$0x2430]  }
0xd8: {  	v10 =	vshll.u32 v10, $0x5;
	v18 =	vld [tilespmem:s29+$0x4000]  }
0xd9: {  	v14 =	vshll.u32 v14, $0x5;
	v19 =	vld [tilespmem:s30+$0x4000]  }
0xda: {  	v15 =	vshll.u32 v15, $0x5;
	v20 =	vld [tilespmem:s28+$0x4000]  }
0xdb: {  	v21 =	vld [tilespmem:s26+$0x6000];
	v16 =	vshll.u32 v16, $0x5  }
0xdc: {  	v22 =	vld [tilespmem:s26+$0x6010];
	v17 =	vshll.u32 v17, $0x5  }
0xdd: {  	v23 =	vld [tilespmem:s26+$0x6020];
	v5 =	vadd.s32 v5, v18  }
0xde: {  	v18 =	vld [tilespmem:s26+$0x6030];
	v5 =	vadd.s32 v1, v5;
	v6 =	vadd.s32 v6, v19  }
0xdf: {  	v19 =	vld [tilespmem:s26+$0x6040];
	v6 =	vadd.s32 v1, v6;
	v7 =	vadd.s32 v7, v20  }
0xe0: {  	v8 =	vadd.s32 v8, v21;
	v20 =	vld [tilespmem:s26+$0x6050];
	v7 =	vadd.s32 v1, v7  }
0xe1: {  	v8 =	vadd.s32 v1, v8;
	v9 =	vadd.s32 v9, v22;
	v21 =	vld [tilespmem:s26+$0x6060]  }
0xe2: {  	v9 =	vadd.s32 v1, v9;
	v4 =	vadd.s32 v4, v23;
	v22 =	vld [tilespmem:s26+$0x6070]  }
0xe3: {  	v23 =	vadd.s32 v1, v4;
	v3 =	vadd.s32 v3, v18;
	v18 =	vld [tilespmem:s26+$0x6400]  }
0xe4: {  	v24 =	vadd.s32 v1, v3;
	v3 =	vadd.s32 v11, v19;
	v11 =	vld [tilespmem:s26+$0x6410]  }
0xe5: {  	v19 =	vadd.s32 v1, v3;
	v3 =	vadd.s32 v12, v20;
	v12 =	vld [tilespmem:s26+$0x6420]  }
0xe6: {  	v20 =	vadd.s32 v1, v3;
	v3 =	vadd.s32 v13, v21;
	v13 =	vld [tilespmem:s26+$0x6430]  }
0xe7: {  	v3 =	vadd.s32 v1, v3;
	v4 =	vadd.s32 v10, v22;
	[tilespmem:v5+s17+$0x0] =	vst.idx.add.f32.msk $0xffff, v2  }
0xe8: {  	v4 =	vadd.s32 v1, v4;
	v5 =	vadd.s32 v14, v18;
	[tilespmem:v6+s17+$0x0] =	vst.idx.add.f32.msk $0xffff, v2  }
0xe9: {  	v5 =	vadd.s32 v1, v5;
	v6 =	vadd.s32 v15, v11;
	[tilespmem:v7+s17+$0x0] =	vst.idx.add.f32.msk $0xffff, v2  }
0xea: {  	[tilespmem:v8+s17+$0x0] =	vst.idx.add.f32.msk $0xffff, v2;
	v6 =	vadd.s32 v1, v6;
	v7 =	vadd.s32 v16, v12  }
.Ltmp2:
0xeb: {  	[tilespmem:v9+s17+$0x0] =	vst.idx.add.f32.msk $0xffff, v2;
	v8 =	vadd.s32 v1, v7;
	v7 =	vadd.s32 v17, v13;
	(pc) =	sbr.rel @p1 .LBB2_6-.Ltmp2, $4  }
0xec: {  	[tilespmem:v23+s17+$0x0] =	vst.idx.add.f32.msk $0xffff, v2;
	v7 =	vadd.s32 v1, v7  }
0xed: {  	[tilespmem:v24+s17+$0x0] =	vst.idx.add.f32.msk $0xffff, v2  }
0xee: {  	[tilespmem:v19+s17+$0x0] =	vst.idx.add.f32.msk $0xffff, v2  }
0xef: {  	s24 =	sadd.s32 $0x800, s24;
	[tilespmem:v20+s17+$0x0] =	vst.idx.add.f32.msk $0xffff, v2  }
0xf0: {  	_ =	sdelay $0x3  }
0xf1: {  	[tilespmem:v3+s17+$0x0] =	vst.idx.add.f32.msk $0xffff, v2  }
0xf2: {  	[tilespmem:v4+s17+$0x0] =	vst.idx.add.f32.msk $0xffff, v2  }
0xf3: {  	[tilespmem:v5+s17+$0x0] =	vst.idx.add.f32.msk $0xffff, v2  }
0xf4: {  	[tilespmem:v6+s17+$0x0] =	vst.idx.add.f32.msk $0xffff, v2  }
0xf5: {  	[tilespmem:v8+s17+$0x0] =	vst.idx.add.f32.msk $0xffff, v2  }
0xf6: {  	[tilespmem:v7+s17+$0x0] =	vst.idx.add.f32.msk $0xffff, v2;
	s22 =	simm.s32 $0x0  }
0xf7: {  	[tilespmem:s14], [sflag:$0x2] =	stream.linear.gather [hbm4b:s9+s22], $0x2000, $0x38;
	[tilespmem:$0xE000] =	vst v63  }
0xf8: {  	_ = 	snop  }
0xf9: {  	[tilespmem:s15], [sflag:$0x2] =	stream.linear.gather [hbm4b:s10+s22], $0x2000, $0x38;
	[tilespmem:$0xE000] =	vst v63  }
0xfa: {  	_ =	swait.ge [sflag:s16], $0x2000  }
0xfb: {  	[sflag:s16] =	ssyncset.done $0x0  }
0xfc: {  	[sflag:s16] =	ssyncadd.s32 $0xFFFFE000  }
0xfd: {  	s23 =	sand.u32 $0x1000, s22;
	s24 =	sand.u32 $0x800, s22;
	_ =	swait.ge [sflag:s16], $0x2000  }
0xfe: {  	s23 =	sor.u32 s24, s23;
	s22 =	sand.u32 $0x380, s22;
	[sflag:s16] =	ssyncset.done $0x0  }
0xff: {  	s22 =	sor.u32 s22, s23;
	[sflag:s16] =	ssyncadd.s32 $0xFFFFE000  }
0x100: {  	v3 =	vld [tilespmem:s22+$0x470]  }
0x101: {  	v4 =	vld [tilespmem:s22+$0x4470]  }
0x102: {  	v5 =	vld [tilespmem:s22+$0x0]  }
0x103: {  	v6 =	vld [tilespmem:s22+$0x10]  }
0x104: {  	v7 =	vld [tilespmem:s22+$0x20]  }
0x105: {  	v53 =	vld [tilespmem:s22+$0x30]  }
0x106: {  	v9 =	vld [tilespmem:s22+$0x40]  }
0x107: {  	v10 =	vld [tilespmem:s22+$0x60]  }
0x108: {  	v11 =	vld [tilespmem:s22+$0x70]  }
0x109: {  	v12 =	vld [tilespmem:s22+$0x400]  }
0x10a: {  	v13 =	vld [tilespmem:s22+$0x410]  }
0x10b: {  	v14 =	vld [tilespmem:s22+$0x4000]  }
0x10c: {  	v15 =	vld [tilespmem:s22+$0x430]  }
0x10d: {  	v16 =	vld [tilespmem:s22+$0x4010]  }
0x10e: {  	v17 =	vld [tilespmem:s22+$0x440]  }
0x10f: {  	v18 =	vld [tilespmem:s22+$0x450]  }
0x110: {  	v19 =	vld [tilespmem:s22+$0x460]  }
0x111: {  	v54 =	vld [tilespmem:s22+$0x4020]  }
0x112: {  	v20 =	vld [tilespmem:s22+$0x4030]  }
0x113: {  	v55 =	vld [tilespmem:s22+$0x4040];
	v3 =	vshll.u32 v3, $0x5  }
0x114: {  	v21 =	vld [tilespmem:s22+$0x4050];
	v3 =	vadd.s32 v3, v4  }
0x115: {  	v22 =	vld [tilespmem:s22+$0x4060];
	v5 =	vshll.u32 v5, $0x5;
	v3 =	vadd.s32 v1, v3  }
0x116: {  	v56 =	vld [tilespmem:s22+$0x4410];
	v5 =	vadd.s32 v5, v14  }
0x117: {  	v57 =	vld [tilespmem:s22+$0x4420];
	v6 =	vshll.u32 v6, $0x5;
	v5 =	vadd.s32 v1, v5  }
0x118: {  	v58 =	vld [tilespmem:s22+$0x4430];
	v6 =	vadd.s32 v6, v16  }
0x119: {  	v4 =	vld [tilespmem:s22+$0x50];
	v6 =	vadd.s32 v1, v6  }
0x11a: {  	[tilespmem:v3+s17+$0x0] =	vst.idx.add.f32.msk $0xffff, v2  }
0x11b: {  	v3 =	vld [tilespmem:s22+$0x420]  }
0x11c: {  	v8 =	vshll.u32 v53, $0x5;
	[tilespmem:v5+s17+$0x0] =	vst.idx.add.f32.msk $0xffff, v2  }
0x11d: {  	v9 =	vshll.u32 v9, $0x5;
	v8 =	vadd.s32 v8, v20;
	v5 =	vld [tilespmem:s22+$0x4070]  }
0x11e: {  	v9 =	vadd.s32 v9, v55;
	v8 =	vadd.s32 v1, v8;
	[tilespmem:v6+s17+$0x0] =	vst.idx.add.f32.msk $0xffff, v2;
	v6 =	vshll.u32 v7, $0x5  }
0x11f: {  	v9 =	vadd.s32 v1, v9;
	v7 =	vld [tilespmem:s22+$0x4400];
	v6 =	vadd.s32 v6, v54  }
0x120: {  	v59 =	vld [tilespmem:s22+$0x4440];
	v10 =	vshll.u32 v10, $0x5;
	v6 =	vadd.s32 v1, v6  }
0x121: {  	v60 =	vld [tilespmem:s22+$0x4450];
	v11 =	vshll.u32 v11, $0x5;
	v10 =	vadd.s32 v10, v22;
	v4 =	vshll.u32 v4, $0x5  }
0x122: {  	v61 =	vld [tilespmem:s22+$0x4460];
	v12 =	vshll.u32 v12, $0x5;
	v10 =	vadd.s32 v1, v10;
	v4 =	vadd.s32 v4, v21  }
0x123: {  	v13 =	vshll.u32 v13, $0x5;
	[tilespmem:v8+s17+$0x0] =	vst.idx.add.f32.msk $0xffff, v2;
	v4 =	vadd.s32 v1, v4;
	v5 =	vadd.s32 v11, v5  }
0x124: {  	[tilespmem:v9+s17+$0x0] =	vst.idx.add.f32.msk $0xffff, v2;
	v7 =	vadd.s32 v12, v7;
	v3 =	vshll.u32 v3, $0x5;
	v5 =	vadd.s32 v1, v5  }
0x125: {  	v62 =	vshll.u32 v15, $0x5;
	v3 =	vadd.s32 v3, v57;
	[tilespmem:v6+s17+$0x0] =	vst.idx.add.f32.msk $0xffff, v2;
	v6 =	vadd.s32 v1, v7  }
0x126: {  	v7 =	vadd.s32 v13, v56;
	v63 =	vadd.s32 v1, v3;
	v3 =	vadd.s32 v62, v58  }
0x127: {  	[tilespmem:v10+s17+$0x0] =	vst.idx.add.f32.msk $0xffff, v2;
	v7 =	vadd.s32 v1, v7;
	v8 =	vadd.s32 v1, v3;
	v3 =	vshll.u32 v17, $0x5  }
0x128: {  	[tilespmem:v4+s17+$0x0] =	vst.idx.add.f32.msk $0xffff, v2;
	v4 =	vshll.u32 v18, $0x5;
	v3 =	vadd.s32 v3, v59  }
0x129: {  	v4 =	vadd.s32 v4, v60;
	v3 =	vadd.s32 v1, v3;
	[tilespmem:v5+s17+$0x0] =	vst.idx.add.f32.msk $0xffff, v2;
	v5 =	vshll.u32 v19, $0x5  }
0x12a: {  	v4 =	vadd.s32 v1, v4;
	[tilespmem:v6+s17+$0x0] =	vst.idx.add.f32.msk $0xffff, v2;
	v5 =	vadd.s32 v5, v61  }
0x12b: {  	[tilespmem:v63+s17+$0x0] =	vst.idx.add.f32.msk $0xffff, v2;
	v5 =	vadd.s32 v1, v5  }
0x12c: {  	s25 =	simm.s32 $0x100;
	[tilespmem:v7+s17+$0x0] =	vst.idx.add.f32.msk $0xffff, v2  }
0x12d: {  	s24 =	simm.s32 $0x800;
	s23 =	simm.s32 $0x40;
	s22 =	simm.s32 $0x0;
	[tilespmem:v8+s17+$0x0] =	vst.idx.add.f32.msk $0xffff, v2  }
.LBB2_8:
0x12e: {  	s26 =	sand.u32 $0x1000, s25;
	s28 =	sand.u32 $0x800, s24;
	s22 =	sadd.s32 $0x10, s22;
	[tilespmem:v3+s17+$0x0] =	vst.idx.add.f32.msk $0xffff, v2  }
0x12f: {  	s26 =	sor.u32 s28, s26;
	s28 =	sand.u32 $0x380, s23;
	p0 =	slt.u32 s22, $0x1F0;
	[tilespmem:v4+s17+$0x0] =	vst.idx.add.f32.msk $0xffff, v2  }
0x130: {  	s26 =	sor.u32 s28, s26;
	[tilespmem:v5+s17+$0x0] =	vst.idx.add.f32.msk $0xffff, v2  }
0x131: {  	v3 =	vld [tilespmem:s26+$0x470]  }
0x132: {  	v4 =	vld [tilespmem:s26+$0x4470]  }
0x133: {  	v5 =	vld [tilespmem:s26+$0x0]  }
0x134: {  	v6 =	vld [tilespmem:s26+$0x10]  }
0x135: {  	v7 =	vld [tilespmem:s26+$0x20]  }
0x136: {  	v8 =	vld [tilespmem:s26+$0x30];
	v3 =	vshll.u32 v3, $0x5  }
0x137: {  	v9 =	vld [tilespmem:s26+$0x40];
	v3 =	vadd.s32 v3, v4  }
0x138: {  	v4 =	vshll.u32 v5, $0x5;
	v5 =	vld [tilespmem:s26+$0x50];
	v3 =	vadd.s32 v1, v3  }
0x139: {  	v6 =	vshll.u32 v6, $0x5;
	v10 =	vld [tilespmem:s26+$0x60]  }
0x13a: {  	v7 =	vshll.u32 v7, $0x5;
	v11 =	vld [tilespmem:s26+$0x70]  }
0x13b: {  	v8 =	vshll.u32 v8, $0x5;
	v12 =	vld [tilespmem:s26+$0x400]  }
0x13c: {  	v9 =	vshll.u32 v9, $0x5;
	v13 =	vld [tilespmem:s26+$0x410]  }
0x13d: {  	v5 =	vshll.u32 v5, $0x5;
	[tilespmem:v3+s17+$0x0] =	vst.idx.add.f32.msk $0xffff, v2  }
0x13e: {  	v3 =	vshll.u32 v10, $0x5;
	v10 =	vld [tilespmem:s26+$0x420]  }
0x13f: {  	v11 =	vshll.u32 v11, $0x5;
	v14 =	vld [tilespmem:s26+$0x430]  }
0x140: {  	v12 =	vshll.u32 v12, $0x5;
	v15 =	vld [tilespmem:s26+$0x440]  }
0x141: {  	v13 =	vshll.u32 v13, $0x5;
	v16 =	vld [tilespmem:s26+$0x450]  }
0x142: {  	v17 =	vld [tilespmem:s26+$0x460]  }
0x143: {  	v18 =	vld [tilespmem:s26+$0x4000];
	v10 =	vshll.u32 v10, $0x5  }
0x144: {  	v19 =	vld [tilespmem:s26+$0x4010];
	v14 =	vshll.u32 v14, $0x5  }
0x145: {  	v20 =	vld [tilespmem:s26+$0x4020];
	v15 =	vshll.u32 v15, $0x5  }
0x146: {  	v21 =	vld [tilespmem:s26+$0x4030];
	v16 =	vshll.u32 v16, $0x5  }
0x147: {  	v22 =	vld [tilespmem:s26+$0x4040];
	v17 =	vshll.u32 v17, $0x5  }
0x148: {  	v4 =	vadd.s32 v4, v18;
	v18 =	vld [tilespmem:s26+$0x4050]  }
0x149: {  	v4 =	vadd.s32 v1, v4;
	v6 =	vadd.s32 v6, v19;
	v19 =	vld [tilespmem:s26+$0x4060]  }
0x14a: {  	v6 =	vadd.s32 v1, v6;
	v7 =	vadd.s32 v7, v20;
	v20 =	vld [tilespmem:s26+$0x4070]  }
0x14b: {  	v7 =	vadd.s32 v1, v7;
	v8 =	vadd.s32 v8, v21;
	v21 =	vld [tilespmem:s26+$0x4400]  }
0x14c: {  	v8 =	vadd.s32 v1, v8;
	v9 =	vadd.s32 v9, v22;
	v22 =	vld [tilespmem:s26+$0x4410]  }
0x14d: {  	v9 =	vadd.s32 v1, v9;
	v5 =	vadd.s32 v5, v18;
	v18 =	vld [tilespmem:s26+$0x4420]  }
0x14e: {  	v5 =	vadd.s32 v1, v5;
	v3 =	vadd.s32 v3, v19;
	v19 =	vld [tilespmem:s26+$0x4430]  }
0x14f: {  	v23 =	vadd.s32 v1, v3;
	v3 =	vadd.s32 v11, v20;
	v11 =	vld [tilespmem:s26+$0x4440]  }
0x150: {  	v20 =	vadd.s32 v1, v3;
	v3 =	vadd.s32 v12, v21;
	v12 =	vld [tilespmem:s26+$0x4450]  }
0x151: {  	v21 =	vadd.s32 v1, v3;
	v3 =	vadd.s32 v13, v22;
	v13 =	vld [tilespmem:s26+$0x4460]  }
0x152: {  	[tilespmem:v4+s17+$0x0] =	vst.idx.add.f32.msk $0xffff, v2;
	v22 =	vadd.s32 v1, v3;
	v3 =	vadd.s32 v10, v18  }
0x153: {  	[tilespmem:v6+s17+$0x0] =	vst.idx.add.f32.msk $0xffff, v2;
	v6 =	vadd.s32 v1, v3;
	v3 =	vadd.s32 v14, v19  }
0x154: {  	[tilespmem:v7+s17+$0x0] =	vst.idx.add.f32.msk $0xffff, v2;
	v7 =	vadd.s32 v1, v3;
	v3 =	vadd.s32 v15, v11  }
0x155: {  	[tilespmem:v8+s17+$0x0] =	vst.idx.add.f32.msk $0xffff, v2;
	v3 =	vadd.s32 v1, v3;
	v4 =	vadd.s32 v16, v12  }
0x156: {  	[tilespmem:v9+s17+$0x0] =	vst.idx.add.f32.msk $0xffff, v2;
	v4 =	vadd.s32 v1, v4;
	v8 =	vadd.s32 v17, v13  }
0x157: {  	[tilespmem:v5+s17+$0x0] =	vst.idx.add.f32.msk $0xffff, v2;
	v5 =	vadd.s32 v1, v8  }
0x158: {  	[tilespmem:v23+s17+$0x0] =	vst.idx.add.f32.msk $0xffff, v2  }
.Ltmp3:
0x159: {  	[tilespmem:v20+s17+$0x0] =	vst.idx.add.f32.msk $0xffff, v2;
	(pc) =	sbr.rel @p0 .LBB2_8-.Ltmp3, $4  }
0x15a: {  	[tilespmem:v21+s17+$0x0] =	vst.idx.add.f32.msk $0xffff, v2  }
0x15b: {  	[tilespmem:v22+s17+$0x0] =	vst.idx.add.f32.msk $0xffff, v2  }
0x15c: {  	[tilespmem:v6+s17+$0x0] =	vst.idx.add.f32.msk $0xffff, v2  }
0x15d: {  	s24 =	sadd.s32 $0x800, s24;
	s25 =	sadd.s32 $0x100, s25;
	s23 =	sadd.s32 $0x40, s23;
	[tilespmem:v7+s17+$0x0] =	vst.idx.add.f32.msk $0xffff, v2  }
0x15e: {  	_ =	sdelay $0x3  }
0x15f: {  	[tilespmem:v3+s17+$0x0] =	vst.idx.add.f32.msk $0xffff, v2  }
0x160: {  	[tilespmem:v4+s17+$0x0] =	vst.idx.add.f32.msk $0xffff, v2  }
0x161: {  	[tilespmem:v5+s17+$0x0] =	vst.idx.add.f32.msk $0xffff, v2  }
0x162: {  	p0 =	por $0x0, $0x0;
	_ =	swait.ge [sflag:s18], $0x2000  }
0x163: {  	s23 =	simm.s32 $0x0;
	s22 =	simm.s32 $0x1;
	[sflag:s18] =	ssyncset.done $0x0  }
0x164: {  	s24 =	sand.u32 $0xFFFFF000, s23;
	s22 =	simm.s32 @!p0 $0x0;
	[sflag:s18] =	ssyncadd.s32 $0xFFFFE000  }
0x165: {  	s24 =	sadd.s32 $0x0, s24;
	s22 =	sshll.u32 s22, $0xB;
	_ =	swait.ge [sflag:s18], $0x2000  }
0x166: {  	s22 =	sadd.s32 s22, s24;
	[sflag:s18] =	ssyncset.done $0x0  }
0x167: {  	s24 =	sor.u32 $0x2470, s22;
	[sflag:s18] =	ssyncadd.s32 $0xFFFFE000  }
0x168: {  	v3 =	vld [tilespmem:s24+$0x0]  }
0x169: {  	s25 =	sor.u32 $0x2440, s22;
	v4 =	vld [tilespmem:s24+$0x4000]  }
0x16a: {  	s28 =	sor.u32 $0x2450, s22;
	v5 =	vld [tilespmem:s25+$0x0]  }
0x16b: {  	s22 =	sor.u32 $0x2460, s22;
	v6 =	vld [tilespmem:s28+$0x0]  }
0x16c: {  	v7 =	vld [tilespmem:s22+$0x0]  }
0x16d: {  	s31 =	sand.u32 $0x800, s23;
	s26 =	sand.u32 $0x1000, s23;
	v15 =	vld [tilespmem:s25+$0x4000]  }
0x16e: {  	s29 =	sand.u32 $0x380, s23;
	s24 =	sor.u32 s31, s26;
	v19 =	vld [tilespmem:s28+$0x4000]  }
0x16f: {  	v20 =	vld [tilespmem:s22+$0x4000];
	s24 =	sor.u32 s29, s24  }
0x170: {  	v8 =	vld [tilespmem:s24+$0x2000]  }
0x171: {  	v9 =	vld [tilespmem:s24+$0x2010]  }
0x172: {  	v10 =	vld [tilespmem:s24+$0x2030]  }
0x173: {  	v11 =	vld [tilespmem:s24+$0x2040]  }
0x174: {  	v12 =	vld [tilespmem:s24+$0x2050]  }
0x175: {  	v13 =	vld [tilespmem:s24+$0x2060]  }
0x176: {  	v14 =	vld [tilespmem:s24+$0x2400]  }
0x177: {  	v16 =	vld [tilespmem:s24+$0x2410]  }
0x178: {  	v17 =	vld [tilespmem:s24+$0x2420]  }
0x179: {  	v18 =	vld [tilespmem:s24+$0x2430]  }
0x17a: {  	v55 =	vld [tilespmem:s24+$0x6000]  }
0x17b: {  	v21 =	vld [tilespmem:s24+$0x6010]  }
0x17c: {  	v22 =	vld [tilespmem:s24+$0x6020]  }
0x17d: {  	v23 =	vld [tilespmem:s24+$0x6030];
	v3 =	vshll.u32 v3, $0x5  }
0x17e: {  	v24 =	vld [tilespmem:s24+$0x6040];
	v5 =	vshll.u32 v5, $0x5;
	v3 =	vadd.s32 v3, v4  }
0x17f: {  	v56 =	vld [tilespmem:s24+$0x6060];
	v5 =	vadd.s32 v5, v15;
	v3 =	vadd.s32 v1, v3  }
0x180: {  	v57 =	vld [tilespmem:s24+$0x6070];
	v5 =	vadd.s32 v1, v5  }
0x181: {  	v58 =	vld [tilespmem:s24+$0x6400]  }
0x182: {  	v4 =	vld [tilespmem:s24+$0x2020]  }
0x183: {  	v60 =	vld [tilespmem:s24+$0x6420];
	v8 =	vshll.u32 v8, $0x5;
	v9 =	vshll.u32 v9, $0x5  }
0x184: {  	v10 =	vshll.u32 v10, $0x5;
	v11 =	vshll.u32 v11, $0x5;
	v8 =	vadd.s32 v8, v55;
	[tilespmem:v3+s17+$0x0] =	vst.idx.add.f32.msk $0xffff, v2  }
0x185: {  	v9 =	vadd.s32 v9, v21;
	v8 =	vadd.s32 v1, v8;
	[tilespmem:v5+s17+$0x0] =	vst.idx.add.f32.msk $0xffff, v2;
	v5 =	vshll.u32 v6, $0x5  }
0x186: {  	v9 =	vadd.s32 v1, v9;
	v6 =	vshll.u32 v7, $0x5;
	v7 =	vld [tilespmem:s24+$0x6050];
	v5 =	vadd.s32 v5, v19  }
0x187: {  	v4 =	vshll.u32 v4, $0x5;
	v3 =	vld [tilespmem:s24+$0x2070];
	v6 =	vadd.s32 v6, v20;
	v5 =	vadd.s32 v1, v5  }
0x188: {  	v59 =	vld [tilespmem:s24+$0x6410];
	v10 =	vadd.s32 v10, v23;
	v4 =	vadd.s32 v4, v22;
	v6 =	vadd.s32 v1, v6  }
0x189: {  	v10 =	vadd.s32 v1, v10;
	v61 =	vadd.s32 v1, v4;
	v4 =	vadd.s32 v11, v24;
	v11 =	vld [tilespmem:s24+$0x6430]  }
0x18a: {  	v12 =	vshll.u32 v12, $0x5;
	v13 =	vshll.u32 v13, $0x5;
	v62 =	vadd.s32 v1, v4;
	[tilespmem:v8+s17+$0x0] =	vst.idx.add.f32.msk $0xffff, v2  }
0x18b: {  	v4 =	vadd.s32 v13, v56;
	[tilespmem:v9+s17+$0x0] =	vst.idx.add.f32.msk $0xffff, v2;
	v8 =	vshll.u32 v17, $0x5;
	v7 =	vadd.s32 v12, v7  }
0x18c: {  	v8 =	vadd.s32 v8, v60;
	v3 =	vshll.u32 v3, $0x5;
	v63 =	vadd.s32 v1, v7;
	[tilespmem:v5+s17+$0x0] =	vst.idx.add.f32.msk $0xffff, v2  }
0x18d: {  	[tilespmem:v6+s17+$0x0] =	vst.idx.add.f32.msk $0xffff, v2;
	v5 =	vshll.u32 v14, $0x5;
	v6 =	vadd.s32 v3, v57;
	v3 =	vadd.s32 v1, v4  }
0x18e: {  	[tilespmem:v10+s17+$0x0] =	vst.idx.add.f32.msk $0xffff, v2;
	v7 =	vshll.u32 v16, $0x5;
	v4 =	vadd.s32 v1, v6;
	v5 =	vadd.s32 v5, v58  }
0x18f: {  	[tilespmem:v61+s17+$0x0] =	vst.idx.add.f32.msk $0xffff, v2;
	v6 =	vadd.s32 v7, v59;
	v7 =	vshll.u32 v18, $0x5;
	v5 =	vadd.s32 v1, v5  }
0x190: {  	s26 =	simm.s32 $0x0;
	s22 =	simm.s32 $0xC080;
	s25 =	simm.s32 $0x10;
	[tilespmem:v62+s17+$0x0] =	vst.idx.add.f32.msk $0xffff, v2;
	v6 =	vadd.s32 v1, v6;
	v7 =	vadd.s32 v7, v11  }
0x191: {  	s28 =	simm.s32 $0x800;
	s29 =	simm.s32 $0x0;
	s24 =	simm.s32 $0x8010;
	v8 =	vadd.s32 v1, v8;
	v7 =	vadd.s32 v1, v7;
	[tilespmem:v63+s17+$0x0] =	vst.idx.add.f32.msk $0xffff, v2  }
.LBB2_10:
0x192: {  	s30 =	sand.u32 $0x800, s28;
	[tilespmem:v3+s17+$0x0] =	vst.idx.add.f32.msk $0xffff, v2;
	s23 =	sadd.s32 $0x40, s23  }
0x193: {  	s29 =	sadd.s32 $0x100, s29;
	p0 =	por !p0, !p0;
	s0 =	simm.s32 $0x1;
	[tilespmem:v4+s17+$0x0] =	vst.idx.add.f32.msk $0xffff, v2  }
0x194: {  	s26 =	sadd.s32 $0x10, s26;
	s31 =	sand.u32 $0xFFFFF000, s29;
	s0 =	simm.s32 @!p0 $0x0;
	[tilespmem:v5+s17+$0x0] =	vst.idx.add.f32.msk $0xffff, v2  }
0x195: {  	p1 =	slt.u32 s26, $0x1F0;
	s31 =	sadd.s32 s31, s23;
	s0 =	sshll.u32 s0, $0xB;
	[tilespmem:v6+s17+$0x0] =	vst.idx.add.f32.msk $0xffff, v2  }
0x196: {  	s1 =	sand.u32 $0x380, s23;
	s0 =	sadd.s32 s0, s31;
	s31 =	sand.u32 $0x1000, s29;
	[tilespmem:v8+s17+$0x0] =	vst.idx.add.f32.msk $0xffff, v2  }
0x197: {  	s30 =	sor.u32 s30, s31;
	s31 =	sor.u32 $0x2440, s0;
	s19 =	sor.u32 $0x2470, s0;
	[tilespmem:v7+s17+$0x0] =	vst.idx.add.f32.msk $0xffff, v2  }
0x198: {  	s30 =	sor.u32 s1, s30;
	s1 =	sor.u32 $0x2450, s0;
	s0 =	sor.u32 $0x2460, s0;
	v3 =	vld [tilespmem:s19+$0x0]  }
0x199: {  	v4 =	vld [tilespmem:s19+$0x4000]  }
0x19a: {  	v5 =	vld [tilespmem:s31+$0x0]  }
0x19b: {  	v6 =	vld [tilespmem:s1+$0x0]  }
0x19c: {  	v7 =	vld [tilespmem:s0+$0x0]  }
0x19d: {  	v8 =	vld [tilespmem:s30+$0x2000];
	v3 =	vshll.u32 v3, $0x5  }
0x19e: {  	v9 =	vld [tilespmem:s30+$0x2010];
	v3 =	vadd.s32 v3, v4  }
0x19f: {  	v4 =	vld [tilespmem:s30+$0x2020];
	v5 =	vshll.u32 v5, $0x5;
	v3 =	vadd.s32 v1, v3  }
0x1a0: {  	v10 =	vld [tilespmem:s30+$0x2030];
	v6 =	vshll.u32 v6, $0x5  }
0x1a1: {  	v11 =	vld [tilespmem:s30+$0x2040];
	v7 =	vshll.u32 v7, $0x5  }
0x1a2: {  	v8 =	vshll.u32 v8, $0x5;
	v12 =	vld [tilespmem:s30+$0x2050]  }
0x1a3: {  	v9 =	vshll.u32 v9, $0x5;
	v13 =	vld [tilespmem:s30+$0x2060]  }
0x1a4: {  	v4 =	vshll.u32 v4, $0x5;
	[tilespmem:v3+s17+$0x0] =	vst.idx.add.f32.msk $0xffff, v2  }
0x1a5: {  	v3 =	vshll.u32 v10, $0x5;
	v10 =	vld [tilespmem:s30+$0x2070]  }
0x1a6: {  	v11 =	vshll.u32 v11, $0x5;
	v14 =	vld [tilespmem:s30+$0x2400]  }
0x1a7: {  	v12 =	vshll.u32 v12, $0x5;
	v15 =	vld [tilespmem:s30+$0x2410]  }
0x1a8: {  	v13 =	vshll.u32 v13, $0x5;
	v16 =	vld [tilespmem:s30+$0x2420]  }
0x1a9: {  	v17 =	vld [tilespmem:s30+$0x2430]  }
0x1aa: {  	v10 =	vshll.u32 v10, $0x5;
	v18 =	vld [tilespmem:s31+$0x4000]  }
0x1ab: {  	v14 =	vshll.u32 v14, $0x5;
	v19 =	vld [tilespmem:s1+$0x4000]  }
0x1ac: {  	v15 =	vshll.u32 v15, $0x5;
	v20 =	vld [tilespmem:s0+$0x4000]  }
0x1ad: {  	v21 =	vld [tilespmem:s30+$0x6000];
	v16 =	vshll.u32 v16, $0x5  }
0x1ae: {  	v22 =	vld [tilespmem:s30+$0x6010];
	v17 =	vshll.u32 v17, $0x5  }
0x1af: {  	v23 =	vld [tilespmem:s30+$0x6020];
	v5 =	vadd.s32 v5, v18  }
0x1b0: {  	v18 =	vld [tilespmem:s30+$0x6030];
	v5 =	vadd.s32 v1, v5;
	v6 =	vadd.s32 v6, v19  }
0x1b1: {  	v19 =	vld [tilespmem:s30+$0x6040];
	v6 =	vadd.s32 v1, v6;
	v7 =	vadd.s32 v7, v20  }
0x1b2: {  	v8 =	vadd.s32 v8, v21;
	v20 =	vld [tilespmem:s30+$0x6050];
	v7 =	vadd.s32 v1, v7  }
0x1b3: {  	v8 =	vadd.s32 v1, v8;
	v9 =	vadd.s32 v9, v22;
	v21 =	vld [tilespmem:s30+$0x6060]  }
0x1b4: {  	v9 =	vadd.s32 v1, v9;
	v4 =	vadd.s32 v4, v23;
	v22 =	vld [tilespmem:s30+$0x6070]  }
0x1b5: {  	v23 =	vadd.s32 v1, v4;
	v3 =	vadd.s32 v3, v18;
	v18 =	vld [tilespmem:s30+$0x6400]  }
0x1b6: {  	v24 =	vadd.s32 v1, v3;
	v3 =	vadd.s32 v11, v19;
	v11 =	vld [tilespmem:s30+$0x6410]  }
0x1b7: {  	v19 =	vadd.s32 v1, v3;
	v3 =	vadd.s32 v12, v20;
	v12 =	vld [tilespmem:s30+$0x6420]  }
0x1b8: {  	v20 =	vadd.s32 v1, v3;
	v3 =	vadd.s32 v13, v21;
	v13 =	vld [tilespmem:s30+$0x6430]  }
0x1b9: {  	v3 =	vadd.s32 v1, v3;
	v4 =	vadd.s32 v10, v22;
	[tilespmem:v5+s17+$0x0] =	vst.idx.add.f32.msk $0xffff, v2  }
0x1ba: {  	v4 =	vadd.s32 v1, v4;
	v5 =	vadd.s32 v14, v18;
	[tilespmem:v6+s17+$0x0] =	vst.idx.add.f32.msk $0xffff, v2  }
0x1bb: {  	v5 =	vadd.s32 v1, v5;
	v6 =	vadd.s32 v15, v11;
	[tilespmem:v7+s17+$0x0] =	vst.idx.add.f32.msk $0xffff, v2  }
0x1bc: {  	[tilespmem:v8+s17+$0x0] =	vst.idx.add.f32.msk $0xffff, v2;
	v6 =	vadd.s32 v1, v6;
	v7 =	vadd.s32 v16, v12  }
.Ltmp4:
0x1bd: {  	[tilespmem:v9+s17+$0x0] =	vst.idx.add.f32.msk $0xffff, v2;
	v8 =	vadd.s32 v1, v7;
	v7 =	vadd.s32 v17, v13;
	(pc) =	sbr.rel @p1 .LBB2_10-.Ltmp4, $4  }
0x1be: {  	[tilespmem:v23+s17+$0x0] =	vst.idx.add.f32.msk $0xffff, v2;
	v7 =	vadd.s32 v1, v7  }
0x1bf: {  	[tilespmem:v24+s17+$0x0] =	vst.idx.add.f32.msk $0xffff, v2  }
0x1c0: {  	[tilespmem:v19+s17+$0x0] =	vst.idx.add.f32.msk $0xffff, v2  }
0x1c1: {  	s28 =	sadd.s32 $0x800, s28;
	[tilespmem:v20+s17+$0x0] =	vst.idx.add.f32.msk $0xffff, v2  }
0x1c2: {  	_ =	sdelay $0x3  }
0x1c3: {  	[tilespmem:v3+s17+$0x0] =	vst.idx.add.f32.msk $0xffff, v2  }
0x1c4: {  	[tilespmem:v4+s17+$0x0] =	vst.idx.add.f32.msk $0xffff, v2  }
0x1c5: {  	[tilespmem:v5+s17+$0x0] =	vst.idx.add.f32.msk $0xffff, v2  }
0x1c6: {  	[tilespmem:v6+s17+$0x0] =	vst.idx.add.f32.msk $0xffff, v2  }
0x1c7: {  	[tilespmem:v8+s17+$0x0] =	vst.idx.add.f32.msk $0xffff, v2  }
0x1c8: {  	[tilespmem:v7+s17+$0x0] =	vst.idx.add.f32.msk $0xffff, v2  }
0x1c9: {  	s1 =	sand.u32 $0x3F0, s25;
	v3 =	vld [tilespmem:s24+$0xFFFFFFF0]  }
0x1ca: {  	v5 =	vld [tilespmem:s1+$0x8400]  }
0x1cb: {  	v7 =	vld [tilespmem:s24+$0x0]  }
0x1cc: {  	v9 =	vld [tilespmem:s1+$0x8800]  }
0x1cd: {  	v11 =	vld [tilespmem:s1+$0x8C00]  }
0x1ce: {  	v13 =	vld [tilespmem:s1+$0x9000]  }
0x1cf: {  	v15 =	vld [tilespmem:s1+$0x9400]  }
0x1d0: {  	v17 =	vld [tilespmem:s1+$0x9800]  }
0x1d1: {  	v19 =	vld [tilespmem:s1+$0x9C00]  }
0x1d2: {  	v21 =	vld [tilespmem:s1+$0xA000]  }
0x1d3: {  	v23 =	vld [tilespmem:s1+$0xA400]  }
0x1d4: {  	v25 =	vld [tilespmem:s1+$0xA800]  }
0x1d5: {  	v27 =	vld [tilespmem:s1+$0xAC00]  }
0x1d6: {  	v29 =	vld [tilespmem:s1+$0xB000]  }
0x1d7: {  	s0 =	simm.s32 $0x0;
	v31 =	vld [tilespmem:s1+$0xB400]  }
0x1d8: {  	s0 =	sand.u32 $0x3E0, s0;
	v33 =	vld [tilespmem:s1+$0xB800]  }
0x1d9: {  	v4 =	vld [tilespmem:s0+$0x8400]  }
0x1da: {  	v6 =	vld [tilespmem:s0+$0x8800]  }
0x1db: {  	v8 =	vld [tilespmem:s0+$0x8C00]  }
0x1dc: {  	v10 =	vld [tilespmem:s0+$0x9000]  }
0x1dd: {  	v12 =	vld [tilespmem:s0+$0x9400]  }
0x1de: {  	v14 =	vld [tilespmem:s0+$0x9800]  }
0x1df: {  	v16 =	vld [tilespmem:s0+$0x9C00]  }
0x1e0: {  	v18 =	vld [tilespmem:s0+$0xA000]  }
0x1e1: {  	v20 =	vld [tilespmem:s0+$0xA400]  }
0x1e2: {  	v22 =	vld [tilespmem:s0+$0xA800]  }
0x1e3: {  	v24 =	vld [tilespmem:s0+$0xAC00]  }
0x1e4: {  	v26 =	vld [tilespmem:s0+$0xB000]  }
0x1e5: {  	v28 =	vld [tilespmem:s0+$0xB400]  }
0x1e6: {  	s29 =	simm.s32 $0x20;
	v30 =	vld [tilespmem:s0+$0xB800]  }
0x1e7: {  	s31 =	sand.u32 $0x3E0, s29;
	v32 =	vld [tilespmem:s0+$0xBC00]  }
0x1e8: {  	s23 =	simm.s32 $0x8030;
	v55 =	vld [tilespmem:s31+$0x9000];
	v3 =	vadd.f32 v4, v3  }
0x1e9: {  	s30 =	simm.s32 $0x30;
	v4 =	vadd.f32 v5, v7;
	v7 =	vld [tilespmem:s23+$0xFFFFFFF0]  }
0x1ea: {  	s24 =	sand.u32 $0x3F0, s30;
	v3 =	vadd.f32 v6, v3;
	v6 =	vld [tilespmem:s31+$0x8400]  }
0x1eb: {  	v4 =	vadd.f32 v9, v4;
	v9 =	vld [tilespmem:s24+$0x8400]  }
0x1ec: {  	v3 =	vadd.f32 v8, v3;
	v8 =	vld [tilespmem:s31+$0x8800]  }
0x1ed: {  	v4 =	vadd.f32 v11, v4;
	v11 =	vld [tilespmem:s23+$0x0]  }
0x1ee: {  	v3 =	vadd.f32 v10, v3;
	v10 =	vld [tilespmem:s31+$0x8C00]  }
0x1ef: {  	v4 =	vadd.f32 v13, v4;
	v6 =	vadd.f32 v6, v7;
	v7 =	vld [tilespmem:s24+$0x8800]  }
0x1f0: {  	v56 =	vld [tilespmem:s31+$0x9400];
	v3 =	vadd.f32 v12, v3  }
0x1f1: {  	v4 =	vadd.f32 v15, v4;
	v6 =	vadd.f32 v8, v6;
	v8 =	vld [tilespmem:s24+$0x8C00]  }
0x1f2: {  	v57 =	vld [tilespmem:s31+$0x9C00];
	v9 =	vadd.f32 v9, v11;
	v3 =	vadd.f32 v14, v3  }
0x1f3: {  	v4 =	vadd.f32 v17, v4;
	v6 =	vadd.f32 v10, v6;
	v10 =	vld [tilespmem:s24+$0x9000]  }
0x1f4: {  	v11 =	vld [tilespmem:s31+$0x9800];
	v3 =	vadd.f32 v16, v3;
	v7 =	vadd.f32 v7, v9  }
0x1f5: {  	v4 =	vadd.f32 v19, v4;
	v9 =	vld [tilespmem:s24+$0x9400];
	v6 =	vadd.f32 v55, v6  }
0x1f6: {  	v58 =	vld [tilespmem:s31+$0xA000];
	v3 =	vadd.f32 v18, v3;
	v7 =	vadd.f32 v8, v7  }
0x1f7: {  	v4 =	vadd.f32 v21, v4;
	v8 =	vld [tilespmem:s24+$0x9800];
	v6 =	vadd.f32 v56, v6  }
0x1f8: {  	v59 =	vld [tilespmem:s31+$0xA800];
	v3 =	vadd.f32 v20, v3;
	v7 =	vadd.f32 v10, v7  }
0x1f9: {  	v4 =	vadd.f32 v23, v4;
	v10 =	vld [tilespmem:s24+$0x9C00];
	v6 =	vadd.f32 v11, v6  }
0x1fa: {  	v11 =	vld [tilespmem:s31+$0xA400];
	v3 =	vadd.f32 v22, v3;
	v7 =	vadd.f32 v9, v7  }
0x1fb: {  	v4 =	vadd.f32 v25, v4;
	v9 =	vld [tilespmem:s24+$0xA000];
	v6 =	vadd.f32 v57, v6  }
0x1fc: {  	v60 =	vld [tilespmem:s31+$0xAC00];
	v3 =	vadd.f32 v24, v3;
	v7 =	vadd.f32 v8, v7  }
0x1fd: {  	v4 =	vadd.f32 v27, v4;
	v8 =	vld [tilespmem:s24+$0xA400];
	v6 =	vadd.f32 v58, v6  }
0x1fe: {  	v5 =	vld [tilespmem:s1+$0xBC00];
	v3 =	vadd.f32 v26, v3;
	v7 =	vadd.f32 v10, v7  }
0x1ff: {  	v4 =	vadd.f32 v29, v4;
	v10 =	vld [tilespmem:s24+$0xA800];
	v6 =	vadd.f32 v11, v6  }
0x200: {  	v11 =	vld [tilespmem:s31+$0xB000];
	v3 =	vadd.f32 v28, v3;
	v7 =	vadd.f32 v9, v7  }
0x201: {  	v4 =	vadd.f32 v31, v4;
	v9 =	vld [tilespmem:s24+$0xAC00];
	v6 =	vadd.f32 v59, v6  }
0x202: {  	v61 =	vld [tilespmem:s31+$0xB400];
	v3 =	vadd.f32 v30, v3;
	v7 =	vadd.f32 v8, v7  }
0x203: {  	v4 =	vadd.f32 v33, v4;
	v8 =	vadd.f32 v60, v6;
	v6 =	vld [tilespmem:s24+$0xB000]  }
0x204: {  	v62 =	vadd.f32 v32, v3;
	v3 =	vld [tilespmem:s31+$0xB800];
	v7 =	vadd.f32 v10, v7  }
0x205: {  	v63 =	vadd.f32 v5, v4;
	v5 =	vld [tilespmem:s24+$0xB400];
	v8 =	vadd.f32 v11, v8  }
0x206: {  	v4 =	vld [tilespmem:s31+$0xBC00];
	[tilespmem:s22+$0xFFFFFF80] =	vst v62;
	v9 =	vadd.f32 v9, v7  }
0x207: {  	s25 =	simm.s32 $0x2;
	s26 =	simm.s32 $0x50;
	[tilespmem:s22+$0x0] =	vst v63;
	v7 =	vld [tilespmem:s24+$0xB800];
	v8 =	vadd.f32 v61, v8  }
.LBB2_12:
0x208: {  	s0 =	sadd.s32 $0xFFFFFFF0, s26;
	s25 =	sadd.s32 $0x2, s25;
	v6 =	vadd.f32 v6, v9;
	v9 =	vld [tilespmem:s24+$0xBC00];
	s23 =	sadd.s32 $0x20, s23  }
0x209: {  	s24 =	sand.u32 $0x3F0, s26;
	v10 =	vld [tilespmem:s23+$0xFFFFFFF0];
	s28 =	sand.u32 $0x3E0, s0;
	p0 =	slt.u32 s25, $0x3E;
	v3 =	vadd.f32 v3, v8  }
0x20a: {  	v8 =	vld [tilespmem:s28+$0x8400];
	v5 =	vadd.f32 v5, v6  }
0x20b: {  	v6 =	vld [tilespmem:s24+$0x8400];
	v3 =	vadd.f32 v4, v3  }
0x20c: {  	s22 =	sadd.s32 $0x100, s22;
	v4 =	vld [tilespmem:s28+$0x8800];
	v5 =	vadd.f32 v7, v5  }
0x20d: {  	v7 =	vld [tilespmem:s23+$0x0];
	[tilespmem:s22+$0xFFFFFF80] =	vst v3  }
0x20e: {  	v3 =	vld [tilespmem:s28+$0x8C00];
	v5 =	vadd.f32 v9, v5  }
0x20f: {  	v8 =	vadd.f32 v8, v10;
	v9 =	vld [tilespmem:s24+$0x8800]  }
0x210: {  	v10 =	vld [tilespmem:s28+$0x9000];
	[tilespmem:s22+$0x0] =	vst v5  }
0x211: {  	v4 =	vadd.f32 v4, v8;
	v5 =	vld [tilespmem:s24+$0x8C00]  }
0x212: {  	v8 =	vld [tilespmem:s28+$0x9400];
	v6 =	vadd.f32 v6, v7  }
0x213: {  	v3 =	vadd.f32 v3, v4;
	v4 =	vld [tilespmem:s24+$0x9000]  }
0x214: {  	v7 =	vld [tilespmem:s28+$0x9800];
	v6 =	vadd.f32 v9, v6  }
0x215: {  	v3 =	vadd.f32 v10, v3;
	v9 =	vld [tilespmem:s24+$0x9400]  }
0x216: {  	v10 =	vld [tilespmem:s28+$0x9C00];
	v5 =	vadd.f32 v5, v6  }
0x217: {  	v3 =	vadd.f32 v8, v3;
	v6 =	vld [tilespmem:s24+$0x9800]  }
0x218: {  	v8 =	vld [tilespmem:s28+$0xA000];
	v4 =	vadd.f32 v4, v5  }
0x219: {  	v3 =	vadd.f32 v7, v3;
	v5 =	vld [tilespmem:s24+$0x9C00]  }
0x21a: {  	v7 =	vld [tilespmem:s28+$0xA400];
	v4 =	vadd.f32 v9, v4  }
0x21b: {  	v3 =	vadd.f32 v10, v3;
	v9 =	vld [tilespmem:s24+$0xA000]  }
0x21c: {  	v10 =	vld [tilespmem:s28+$0xA800];
	v4 =	vadd.f32 v6, v4  }
0x21d: {  	v3 =	vadd.f32 v8, v3;
	v6 =	vld [tilespmem:s24+$0xA400]  }
0x21e: {  	v8 =	vld [tilespmem:s28+$0xAC00];
	v4 =	vadd.f32 v5, v4  }
0x21f: {  	v3 =	vadd.f32 v7, v3;
	v5 =	vld [tilespmem:s24+$0xA800]  }
0x220: {  	v7 =	vld [tilespmem:s28+$0xB000];
	v4 =	vadd.f32 v9, v4  }
0x221: {  	v3 =	vadd.f32 v10, v3;
	v9 =	vld [tilespmem:s24+$0xAC00]  }
0x222: {  	v10 =	vld [tilespmem:s28+$0xB400];
	v4 =	vadd.f32 v6, v4  }
.Ltmp5:
0x223: {  	v8 =	vadd.f32 v8, v3;
	v6 =	vld [tilespmem:s24+$0xB000];
	(pc) =	sbr.rel @p0 .LBB2_12-.Ltmp5, $4  }
0x224: {  	v3 =	vld [tilespmem:s28+$0xB800];
	v11 =	vadd.f32 v5, v4  }
0x225: {  	v7 =	vadd.f32 v7, v8;
	v5 =	vld [tilespmem:s24+$0xB400]  }
0x226: {  	v4 =	vld [tilespmem:s28+$0xBC00];
	v9 =	vadd.f32 v9, v11  }
0x227: {  	s26 =	sadd.s32 $0x20, s26;
	v8 =	vadd.f32 v10, v7;
	v7 =	vld [tilespmem:s24+$0xB800]  }
0x228: {  	v6 =	vadd.f32 v6, v9  }
0x229: {  	v62 =	vld [tilespmem:s24+$0xBC00]  }
0x22a: {  	v5 =	vadd.f32 v5, v6  }
0x22b: {  	v3 =	vadd.f32 v3, v8  }
0x22c: {  	v5 =	vadd.f32 v7, v5  }
0x22d: {  	v3 =	vadd.f32 v4, v3  }
0x22e: {  	s0 =	sadd.s32 $0x100, s22;
	s21 =	sadd.s32 $0x1, s21;
	v63 =	vadd.f32 v62, v5  }
0x22f: {  	p0 =	sne.s32 s21, s12;
	[tilespmem:s0+$0xFFFFFF80] =	vst v3  }
.Ltmp6:
0x230: {  	s31 =	simm.s32 $0xC000;
	[tilespmem:s0+$0x0] =	vst v63;
	(pc) =	sbr.rel @p0 .LBB2_1-.Ltmp6, $4  }
0x231: {  	[hbm4b:s11+s2] =	stream.linear.scatter [tilespmem:s31], [sflag:$0x3], $0x2000, $0x38;
	[tilespmem:$0xE000] =	vst v63  }
0x232: {  	_ =	swait.ge [sflag:s20], $0x2000  }
0x233: {  	[sflag:s20] =	ssyncset.done $0x0  }
0x234: {  	[sflag:s20] =	ssyncadd.s32 $0xFFFFE000  }
0x235: {  	_ =	sfence.sel $0x180000  }
0x236: {  	[bflag:$0x0] =	sbarrier.arrive $0xFFFF  }
0x237: {  	_ =	strace $0x90000047  }
0x238: {  	s0 =	stileid.u32;
	[bflag:$0x2] =	sbarrier.arrive $0xFFFF  }
0x239: {  	p0 =	sne.s32 s0, $0x0;
	s0 =	rddreg [dreg:$0x3]  }
0x23a: {  	s0 =	sadd.s32 @!p0 $0x100000, s0  }
0x23b: {  	[sflag:s0] =	ssyncadd.tile.s32 @!p0 $0x1;
	_ =	shalt  }
.Lfunc_end2:
_tile_overlayer_lowered:
.L_overlay_start_2:
0x23c: {  	(tag) =	ssettag $0x2  }
0x23d: {  	s0 =	rddreg [dreg:$0x0];
	s2 =	stileid.u32  }
0x23e: {  	s1 =	rddreg [dreg:$0x1];
	p0 =	sne.s32 s2, $0x0  }
0x23f: {  	s3 =	rddreg [dreg:$0x2];
	[bflag:$0x3] =	sbarrier.arrive $0xFFFF;
	s2 =	simm.s32 @!p0 $0x1C03  }
0x240: {  	[timem:s3], [sflag:s2] =	dma.local @!p0 [hbm:s0], s1  }
0x241: {  	s0 =	simm.s32 @!p0 $0x3  }
0x242: {  	_ =	swait.ge @!p0 [sflag:s0], s1  }
0x243: {  	s1 =	ssub.s32 @!p0 $0x0, s1;
	[sflag:s0] =	ssyncset.done @!p0 $0x0  }
0x244: {  	[sflag:s0] =	ssyncadd.s32 @!p0 s1  }
0x245: {  	[bflag:$0x3] =	sbarrier.arrive $0xFFFF  }
0x246: {  	_ =	shalt  }

</sc_bundles>
